<compile_context>
chip_gen: v7x
topology: tpu7x:2x2x1
jax: 0.10.2.dev20260603
libtpu: 0.0.44.dev20260713+nightly
codegen_flags: <defaults>
</compile_context>

<pallas_src>
import functools

import jax
import jax.numpy as jnp
from jax import lax
from jax.experimental import pallas as pl
from jax.experimental.pallas import tpu as pltpu
from jax.experimental.pallas import tpu_sc as plsc

NC = 2
NS = 16
NW = NC * NS

IDX_W = 128
L = 16


def _lookup_kernel(B0, B1, V, D):
    W = B0 // NW
    G = W // IDX_W
    mesh = plsc.VectorSubcoreMesh(core_axis_name="c", subcore_axis_name="s")

    @functools.partial(
        pl.kernel,
        out_type=jax.ShapeDtypeStruct((B1, D, B0), jnp.float32),
        mesh=mesh,
        scratch_types=[
            pltpu.VMEM((2, W), jnp.int32),
            pltpu.VMEM((2, W, D), jnp.float32),
            pltpu.VMEM((2, D, W + L), jnp.float32),
            pltpu.SemaphoreType.DMA,
            pltpu.SemaphoreType.DMA,
            pltpu.SemaphoreType.DMA,
            pltpu.SemaphoreType.DMA,
        ],
        compiler_params=pltpu.CompilerParams(
            use_tc_tiling_on_sc=False, needs_layout_passes=False),
    )
    def body(x_hbm, table_hbm, out_hbm, ibuf, rows_v, tbuf, gs0, gs1, os0,
             os1):
        gsem = (gs0, gs1)
        osem = (os0, os1)
        wid = lax.axis_index("s") * NC + lax.axis_index("c")
        b0_0 = wid * W
        lane = lax.iota(jnp.int32, L)

        def fire(c, p):
            pltpu.sync_copy(x_hbm.at[pl.ds(c * B0 + b0_0, W)], ibuf.at[p])
            for j in range(G):
                pltpu.async_copy(
                    table_hbm.at[ibuf.at[p].at[pl.ds(j * IDX_W, IDX_W)]],
                    rows_v.at[p].at[pl.ds(j * IDX_W, IDX_W), :],
                    gsem[p],
                )

        def drain_rows(p):
            pltpu.make_async_copy(
                table_hbm.at[pl.ds(0, W), :], rows_v.at[p], gsem[p]).wait()

        def wait_out(p):
            pltpu.make_async_copy(
                out_hbm.at[0, :, pl.ds(0, W)],
                tbuf.at[p].at[:, pl.ds(0, W)], osem[p]).wait()

        def transpose_store(c, p):
            rows = rows_v.at[p]
            tb = tbuf.at[p]

            dlane = [lane + dh * L for dh in range(D // L)]

            @plsc.parallel_loop(0, W, unroll=4)
            def tp(r):
                rvec = jnp.full((L,), 0, jnp.int32) + r
                for dh in range(D // L):
                    v = rows[r, pl.ds(dh * L, L)]
                    plsc.store_scatter(tb, [dlane[dh], rvec], v)

            pltpu.async_copy(
                tb.at[:, pl.ds(0, W)], out_hbm.at[c, :, pl.ds(b0_0, W)],
                osem[p])

        for p in range(2):
            pltpu.async_copy(
                tbuf.at[p].at[:, pl.ds(0, W)],
                out_hbm.at[p, :, pl.ds(b0_0, W)], osem[p])
        fire(0, 0)

        def outer(t, carry):
            for sub in range(2):
                i = 2 * t + 1 + sub
                p = (1 + sub) % 2
                q = 1 - p
                c_fire = lax.select(i < B1, i, B1 - 1)
                fire(c_fire, p)
                drain_rows(q)
                wait_out(q)
                transpose_store(i - 1, q)
            return carry

        lax.fori_loop(0, B1 // 2, outer, 0)

        drain_rows(0)
        for p in range(2):
            wait_out(p)

    return body


def _table_transpose_kernel(V, D):
    GW = 128
    NG = V // GW
    OR_ = GW * D // IDX_W
    NGI = 2 * ((NG // NW + 2) // 2)
    mesh = plsc.VectorSubcoreMesh(core_axis_name="c", subcore_axis_name="s")

    @functools.partial(
        pl.kernel,
        out_type=jax.ShapeDtypeStruct((V * D // IDX_W, IDX_W), jnp.float32),
        mesh=mesh,
        scratch_types=[
            pltpu.VMEM((2, D, GW + 1), jnp.float32),
            pltpu.VMEM((2, OR_, IDX_W), jnp.float32),
            pltpu.SemaphoreType.DMA,
            pltpu.SemaphoreType.DMA,
            pltpu.SemaphoreType.DMA,
            pltpu.SemaphoreType.DMA,
        ],
        compiler_params=pltpu.CompilerParams(needs_layout_passes=False),
    )
    def body(tt_hbm, out_hbm, inbuf, obuf, is0, is1, os0, os1):
        isem = (is0, is1)
        osem = (os0, os1)
        wid = lax.axis_index("s") * NC + lax.axis_index("c")
        lane = lax.iota(jnp.int32, L)
        dlane = [lane + dh * L for dh in range(D // L)]

        def grp(i):
            g = i * NW + wid
            return lax.select(g < NG, g, NG - 1)

        def fire_in(i, p):
            pltpu.async_copy(
                tt_hbm.at[:, pl.ds(grp(i) * GW, GW)],
                inbuf.at[p].at[:, pl.ds(0, GW)], isem[p])

        def wait_in(p):
            pltpu.make_async_copy(
                tt_hbm.at[:, pl.ds(0, GW)],
                inbuf.at[p].at[:, pl.ds(0, GW)], isem[p]).wait()

        def wait_ob(p):
            pltpu.make_async_copy(
                out_hbm.at[pl.ds(0, OR_), :], obuf.at[p], osem[p]).wait()

        def transpose(src, dst, ncols):
            @plsc.parallel_loop(0, ncols, unroll=4)
            def tp(c):
                cvec = jnp.full((L,), 0, jnp.int32) + c
                for dh in range(D // L):
                    v = plsc.load_gather(src, [dlane[dh], cvec])
                    q = c * D + dh * L
                    dst[q // IDX_W, pl.ds(q % IDX_W, L)] = v

        for p in range(2):
            pltpu.async_copy(
                obuf.at[p], out_hbm.at[pl.ds(grp(p) * OR_, OR_), :],
                osem[p])
            fire_in(p, p)

        def outer(t, carry):
            for sub in range(2):
                i_ = 2 * t + sub
                p = sub
                wait_in(p)
                wait_ob(p)
                transpose(inbuf.at[p], obuf.at[p], GW)
                pltpu.async_copy(
                    obuf.at[p], out_hbm.at[pl.ds(grp(i_) * OR_, OR_), :],
                    osem[p])
                fire_in(i_ + 2, p)
            return carry

        lax.fori_loop(0, NGI // 2, outer, 0)

        for p in range(2):
            wait_in(p)
            wait_ob(p)

    return body


def kernel(x, table):
    B0, B1 = x.shape
    V, D = table.shape
    xt_flat = jnp.transpose(x).reshape(-1).astype(jnp.int32)
    t_rm = _table_transpose_kernel(V, D)(jnp.transpose(table))
    vfull = (V // IDX_W) * IDX_W
    tail = jnp.reshape(table[vfull:, :], ((V - vfull) * D // IDX_W, IDX_W))
    t_rm = lax.dynamic_update_slice(t_rm, tail, (vfull * D // IDX_W, 0))
    out = _lookup_kernel(B0, B1, V, D)(xt_flat, t_rm.reshape(V, D))
    return jnp.transpose(out, (2, 0, 1))

# --- scband reference (transcript-rebuilt; emitter-appended) ---
"""Pipeline reference for scband-integer-encoder-28166395527435 (READ-ONLY COPY).

The authoritative reference and input builder live on the scoring server;
editing this copy changes nothing except your own understanding.
"""

import jax, jax.numpy as jnp
import numpy as np

NUM_ATOMS = 1000000
OUT_CHANNELS = 32

def setup_inputs(seed: int = 0) -> dict:
    key = jax.random.key(seed)
    k1, k2 = jax.random.split(key)
    x = jax.random.randint(k1, (16384, 200), 0, NUM_ATOMS, dtype=jnp.int64 if jax.config.jax_enable_x64 else jnp.int32)
    # nn.Embedding default init: N(0, 1)
    table = jax.random.normal(k2, (NUM_ATOMS, OUT_CHANNELS), dtype=jnp.float32)
    return {"x": x, "table": table}

def reference(x, table):
    # IntegerEncoder.forward: embedding lookup
    return jnp.take(table, x, axis=0)

if __name__ == "__main__":
    import jax
    _d = setup_inputs()
    print(jax.jit(kernel)(*tuple(_d.values())))

</pallas_src>

<mosaic_0001>
#map = affine_map<(d0, d1) -> (0, 0)>
module attributes {stable_mosaic.version = 14 : i64} {
  func.func @body(%arg0: i32, %arg1: i32, %arg2: memref<32x1000000xf32, #tpu.memory_space<hbm>>, %arg3: memref<250000x128xf32, #tpu.memory_space<hbm>>, %arg4: memref<2x32x129xf32, #tpu.memory_space<vmem>>, %arg5: memref<2x32x128xf32, #tpu.memory_space<vmem>>, %arg6: memref<!tpu.dma_semaphore, #tpu.memory_space<semaphore_mem>>, %arg7: memref<!tpu.dma_semaphore, #tpu.memory_space<semaphore_mem>>, %arg8: memref<!tpu.dma_semaphore, #tpu.memory_space<semaphore_mem>>, %arg9: memref<!tpu.dma_semaphore, #tpu.memory_space<semaphore_mem>>) attributes {dimension_semantics = [#tpu.dimension_semantics<core_parallel>, #tpu.dimension_semantics<subcore_parallel>], iteration_bounds = array<i64: 2, 16>, scalar_prefetch = 0 : i64, scratch_operands = 6 : i64, tpu.core_type = #tpu.core_type<sc_vector_subcore>, window_params = [{transform_indices = #map}, {transform_indices = #map}]} {
    %mul3A = arith.constant 2 : i32
    %mul3A_0 = arith.muli %arg1, %mul3A : i32
    %add3A = arith.addi %mul3A_0, %arg0 : i32
    %iota3A = tpu.iota {dimensions = array<i32: 0>} : vector<16xi32>
    %add3A_1 = arith.constant 0 : i32
    %add3A_2 = vector.broadcast %add3A_1 : i32 to vector<16xi32>
    %add3A_3 = arith.addi %iota3A, %add3A_2 : vector<16xi32>
    %add3A_4 = arith.constant 16 : i32
    %add3A_5 = vector.broadcast %add3A_4 : i32 to vector<16xi32>
    %add3A_6 = arith.addi %iota3A, %add3A_5 : vector<16xi32>
    %add3A_7 = arith.constant 0 : i32
    %add3A_8 = arith.addi %add3A_7, %add3A : i32
    %lt3A = arith.constant 7812 : i32
    %lt3A_9 = arith.cmpi slt, %add3A_8, %lt3A : i32
    %select_n3A = arith.constant 7811 : i32
    %select_n3A_10 = arith.select %lt3A_9, %add3A_8, %select_n3A : i32
    %mul3A_11 = arith.constant 32 : i32
    %mul3A_12 = arith.muli %select_n3A_10, %mul3A_11 : i32
    %dma_start3A = arith.constant 0 : i32
    %dma_start3A_13 = arith.constant 0 : i32
    %dma_start3A_14 = arith.constant 0 : i32
    %dma_start3A_15 = tpu.memref_slice %arg5[%dma_start3A, %dma_start3A_13, %dma_start3A_14] : memref<2x32x128xf32, #tpu.memory_space<vmem>> -> memref<1x32x128xf32, #tpu.memory_space<vmem>>
    %dma_start3A_16 = tpu.memref_squeeze %dma_start3A_15 : memref<1x32x128xf32, #tpu.memory_space<vmem>> -> memref<32x128xf32, #tpu.memory_space<vmem>>
    %dma_start3A_17 = arith.constant 0 : i32
    %dma_start3A_18 = tpu.memref_slice %arg3[%mul3A_12, %dma_start3A_17] : memref<250000x128xf32, #tpu.memory_space<hbm>> -> memref<32x128xf32, #tpu.memory_space<hbm>>
    %dma_start3A_19 = arith.constant 0 : i32
    %dma_start3A_20 = tpu.memref_slice %arg3[%mul3A_12, %dma_start3A_19] : memref<250000x128xf32, #tpu.memory_space<hbm>> -> memref<32x128xf32, #tpu.memory_space<hbm>>
    %dma_start3A_21 = arith.constant 0 : i32
    %dma_start3A_22 = arith.constant 0 : i32
    %dma_start3A_23 = tpu.memref_slice %arg5[%dma_start3A, %dma_start3A_21, %dma_start3A_22] : memref<2x32x128xf32, #tpu.memory_space<vmem>> -> memref<1x32x128xf32, #tpu.memory_space<vmem>>
    %dma_start3A_24 = tpu.memref_squeeze %dma_start3A_23 : memref<1x32x128xf32, #tpu.memory_space<vmem>> -> memref<32x128xf32, #tpu.memory_space<vmem>>
    tpu.enqueue_dma source(%dma_start3A_24 : memref<32x128xf32, #tpu.memory_space<vmem>>) target(%dma_start3A_20 : memref<32x128xf32, #tpu.memory_space<hbm>>) target_semaphore(%arg8 : memref<!tpu.dma_semaphore, #tpu.memory_space<semaphore_mem>>)
    %add3A_25 = arith.constant 0 : i32
    %add3A_26 = arith.addi %add3A_25, %add3A : i32
    %lt3A_27 = arith.constant 7812 : i32
    %lt3A_28 = arith.cmpi slt, %add3A_26, %lt3A_27 : i32
    %select_n3A_29 = arith.constant 7811 : i32
    %select_n3A_30 = arith.select %lt3A_28, %add3A_26, %select_n3A_29 : i32
    %mul3A_31 = arith.constant 128 : i32
    %mul3A_32 = arith.muli %select_n3A_30, %mul3A_31 : i32
    %dma_start3A_33 = arith.constant 0 : i32
    %dma_start3A_34 = arith.constant 0 : i32
    %dma_start3A_35 = arith.constant 0 : i32
    %dma_start3A_36 = tpu.memref_slice %arg4[%dma_start3A_33, %dma_start3A_34, %dma_start3A_35] : memref<2x32x129xf32, #tpu.memory_space<vmem>> -> memref<1x32x129xf32, #tpu.memory_space<vmem>>
    %dma_start3A_37 = tpu.memref_squeeze %dma_start3A_36 : memref<1x32x129xf32, #tpu.memory_space<vmem>> -> memref<32x129xf32, #tpu.memory_space<vmem>>
    %dma_start3A_38 = arith.constant 0 : i32
    %dma_start3A_39 = arith.constant 0 : i32
    %dma_start3A_40 = tpu.memref_slice %dma_start3A_37[%dma_start3A_38, %dma_start3A_39] : memref<32x129xf32, #tpu.memory_space<vmem>> -> memref<32x128xf32, #tpu.memory_space<vmem>>
    %dma_start3A_41 = arith.constant 0 : i32
    %dma_start3A_42 = tpu.memref_slice %arg2[%dma_start3A_41, %mul3A_32] : memref<32x1000000xf32, #tpu.memory_space<hbm>> -> memref<32x128xf32, #tpu.memory_space<hbm>>
    %dma_start3A_43 = arith.constant 0 : i32
    %dma_start3A_44 = arith.constant 0 : i32
    %dma_start3A_45 = tpu.memref_slice %arg4[%dma_start3A_33, %dma_start3A_43, %dma_start3A_44] : memref<2x32x129xf32, #tpu.memory_space<vmem>> -> memref<1x32x129xf32, #tpu.memory_space<vmem>>
    %dma_start3A_46 = tpu.memref_squeeze %dma_start3A_45 : memref<1x32x129xf32, #tpu.memory_space<vmem>> -> memref<32x129xf32, #tpu.memory_space<vmem>>
    %dma_start3A_47 = arith.constant 0 : i32
    %dma_start3A_48 = arith.constant 0 : i32
    %dma_start3A_49 = tpu.memref_slice %dma_start3A_46[%dma_start3A_47, %dma_start3A_48] : memref<32x129xf32, #tpu.memory_space<vmem>> -> memref<32x128xf32, #tpu.memory_space<vmem>>
    %dma_start3A_50 = arith.constant 0 : i32
    %dma_start3A_51 = tpu.memref_slice %arg2[%dma_start3A_50, %mul3A_32] : memref<32x1000000xf32, #tpu.memory_space<hbm>> -> memref<32x128xf32, #tpu.memory_space<hbm>>
    tpu.enqueue_dma source(%dma_start3A_51 : memref<32x128xf32, #tpu.memory_space<hbm>>) target(%dma_start3A_49 : memref<32x128xf32, #tpu.memory_space<vmem>>) target_semaphore(%arg6 : memref<!tpu.dma_semaphore, #tpu.memory_space<semaphore_mem>>)
    %add3A_52 = arith.constant 32 : i32
    %add3A_53 = arith.addi %add3A_52, %add3A : i32
    %lt3A_54 = arith.constant 7812 : i32
    %lt3A_55 = arith.cmpi slt, %add3A_53, %lt3A_54 : i32
    %select_n3A_56 = arith.constant 7811 : i32
    %select_n3A_57 = arith.select %lt3A_55, %add3A_53, %select_n3A_56 : i32
    %mul3A_58 = arith.constant 32 : i32
    %mul3A_59 = arith.muli %select_n3A_57, %mul3A_58 : i32
    %dma_start3A_60 = arith.constant 1 : i32
    %dma_start3A_61 = arith.constant 0 : i32
    %dma_start3A_62 = arith.constant 0 : i32
    %dma_start3A_63 = tpu.memref_slice %arg5[%dma_start3A_60, %dma_start3A_61, %dma_start3A_62] : memref<2x32x128xf32, #tpu.memory_space<vmem>> -> memref<1x32x128xf32, #tpu.memory_space<vmem>>
    %dma_start3A_64 = tpu.memref_squeeze %dma_start3A_63 : memref<1x32x128xf32, #tpu.memory_space<vmem>> -> memref<32x128xf32, #tpu.memory_space<vmem>>
    %dma_start3A_65 = arith.constant 0 : i32
    %dma_start3A_66 = tpu.memref_slice %arg3[%mul3A_59, %dma_start3A_65] : memref<250000x128xf32, #tpu.memory_space<hbm>> -> memref<32x128xf32, #tpu.memory_space<hbm>>
    %dma_start3A_67 = arith.constant 0 : i32
    %dma_start3A_68 = tpu.memref_slice %arg3[%mul3A_59, %dma_start3A_67] : memref<250000x128xf32, #tpu.memory_space<hbm>> -> memref<32x128xf32, #tpu.memory_space<hbm>>
    %dma_start3A_69 = arith.constant 0 : i32
    %dma_start3A_70 = arith.constant 0 : i32
    %dma_start3A_71 = tpu.memref_slice %arg5[%dma_start3A_60, %dma_start3A_69, %dma_start3A_70] : memref<2x32x128xf32, #tpu.memory_space<vmem>> -> memref<1x32x128xf32, #tpu.memory_space<vmem>>
    %dma_start3A_72 = tpu.memref_squeeze %dma_start3A_71 : memref<1x32x128xf32, #tpu.memory_space<vmem>> -> memref<32x128xf32, #tpu.memory_space<vmem>>
    tpu.enqueue_dma source(%dma_start3A_72 : memref<32x128xf32, #tpu.memory_space<vmem>>) target(%dma_start3A_68 : memref<32x128xf32, #tpu.memory_space<hbm>>) target_semaphore(%arg9 : memref<!tpu.dma_semaphore, #tpu.memory_space<semaphore_mem>>)
    %add3A_73 = arith.constant 32 : i32
    %add3A_74 = arith.addi %add3A_73, %add3A : i32
    %lt3A_75 = arith.constant 7812 : i32
    %lt3A_76 = arith.cmpi slt, %add3A_74, %lt3A_75 : i32
    %select_n3A_77 = arith.constant 7811 : i32
    %select_n3A_78 = arith.select %lt3A_76, %add3A_74, %select_n3A_77 : i32
    %mul3A_79 = arith.constant 128 : i32
    %mul3A_80 = arith.muli %select_n3A_78, %mul3A_79 : i32
    %dma_start3A_81 = arith.constant 1 : i32
    %dma_start3A_82 = arith.constant 0 : i32
    %dma_start3A_83 = arith.constant 0 : i32
    %dma_start3A_84 = tpu.memref_slice %arg4[%dma_start3A_81, %dma_start3A_82, %dma_start3A_83] : memref<2x32x129xf32, #tpu.memory_space<vmem>> -> memref<1x32x129xf32, #tpu.memory_space<vmem>>
    %dma_start3A_85 = tpu.memref_squeeze %dma_start3A_84 : memref<1x32x129xf32, #tpu.memory_space<vmem>> -> memref<32x129xf32, #tpu.memory_space<vmem>>
    %dma_start3A_86 = arith.constant 0 : i32
    %dma_start3A_87 = arith.constant 0 : i32
    %dma_start3A_88 = tpu.memref_slice %dma_start3A_85[%dma_start3A_86, %dma_start3A_87] : memref<32x129xf32, #tpu.memory_space<vmem>> -> memref<32x128xf32, #tpu.memory_space<vmem>>
    %dma_start3A_89 = arith.constant 0 : i32
    %dma_start3A_90 = tpu.memref_slice %arg2[%dma_start3A_89, %mul3A_80] : memref<32x1000000xf32, #tpu.memory_space<hbm>> -> memref<32x128xf32, #tpu.memory_space<hbm>>
    %dma_start3A_91 = arith.constant 0 : i32
    %dma_start3A_92 = arith.constant 0 : i32
    %dma_start3A_93 = tpu.memref_slice %arg4[%dma_start3A_81, %dma_start3A_91, %dma_start3A_92] : memref<2x32x129xf32, #tpu.memory_space<vmem>> -> memref<1x32x129xf32, #tpu.memory_space<vmem>>
    %dma_start3A_94 = tpu.memref_squeeze %dma_start3A_93 : memref<1x32x129xf32, #tpu.memory_space<vmem>> -> memref<32x129xf32, #tpu.memory_space<vmem>>
    %dma_start3A_95 = arith.constant 0 : i32
    %dma_start3A_96 = arith.constant 0 : i32
    %dma_start3A_97 = tpu.memref_slice %dma_start3A_94[%dma_start3A_95, %dma_start3A_96] : memref<32x129xf32, #tpu.memory_space<vmem>> -> memref<32x128xf32, #tpu.memory_space<vmem>>
    %dma_start3A_98 = arith.constant 0 : i32
    %dma_start3A_99 = tpu.memref_slice %arg2[%dma_start3A_98, %mul3A_80] : memref<32x1000000xf32, #tpu.memory_space<hbm>> -> memref<32x128xf32, #tpu.memory_space<hbm>>
    tpu.enqueue_dma source(%dma_start3A_99 : memref<32x128xf32, #tpu.memory_space<hbm>>) target(%dma_start3A_97 : memref<32x128xf32, #tpu.memory_space<vmem>>) target_semaphore(%arg7 : memref<!tpu.dma_semaphore, #tpu.memory_space<semaphore_mem>>)
    %scan3A = arith.constant 0 : i32
    %scan3A_100 = arith.constant 0 : i32
    %scan3A_101 = arith.constant 123 : i32
    %scan3A_102 = arith.addi %scan3A_100, %scan3A_101 : i32
    %scan3A_103 = arith.constant 1 : i32
    scf.for %scan3A_176 = %scan3A_100 to %scan3A_102 step %scan3A_103  : i32 {
      %mul3A_177 = arith.constant 2 : i32
      %mul3A_178 = arith.muli %mul3A_177, %scan3A_176 : i32
      %add3A_179 = arith.constant 0 : i32
      %add3A_180 = arith.addi %mul3A_178, %add3A_179 : i32
      %dma_wait3A_181 = arith.constant 0 : i32
      %dma_wait3A_182 = arith.constant 0 : i32
      %dma_wait3A_183 = arith.constant 0 : i32
      %dma_wait3A_184 = tpu.memref_slice %arg4[%dma_wait3A_181, %dma_wait3A_182, %dma_wait3A_183] : memref<2x32x129xf32, #tpu.memory_space<vmem>> -> memref<1x32x129xf32, #tpu.memory_space<vmem>>
      %dma_wait3A_185 = tpu.memref_squeeze %dma_wait3A_184 : memref<1x32x129xf32, #tpu.memory_space<vmem>> -> memref<32x129xf32, #tpu.memory_space<vmem>>
      %dma_wait3A_186 = arith.constant 0 : i32
      %dma_wait3A_187 = arith.constant 0 : i32
      %dma_wait3A_188 = tpu.memref_slice %dma_wait3A_185[%dma_wait3A_186, %dma_wait3A_187] : memref<32x129xf32, #tpu.memory_space<vmem>> -> memref<32x128xf32, #tpu.memory_space<vmem>>
      %dma_wait3A_189 = arith.constant 0 : i32
      %dma_wait3A_190 = arith.constant 0 : i32
      %dma_wait3A_191 = tpu.memref_slice %arg2[%dma_wait3A_189, %dma_wait3A_190] : memref<32x1000000xf32, #tpu.memory_space<hbm>> -> memref<32x128xf32, #tpu.memory_space<hbm>>
      %dma_wait3A_192 = arith.constant 0 : i32
      %dma_wait3A_193 = arith.constant 0 : i32
      %dma_wait3A_194 = tpu.memref_slice %arg4[%dma_wait3A_181, %dma_wait3A_192, %dma_wait3A_193] : memref<2x32x129xf32, #tpu.memory_space<vmem>> -> memref<1x32x129xf32, #tpu.memory_space<vmem>>
      %dma_wait3A_195 = tpu.memref_squeeze %dma_wait3A_194 : memref<1x32x129xf32, #tpu.memory_space<vmem>> -> memref<32x129xf32, #tpu.memory_space<vmem>>
      %dma_wait3A_196 = arith.constant 0 : i32
      %dma_wait3A_197 = arith.constant 0 : i32
      %dma_wait3A_198 = tpu.memref_slice %dma_wait3A_195[%dma_wait3A_196, %dma_wait3A_197] : memref<32x129xf32, #tpu.memory_space<vmem>> -> memref<32x128xf32, #tpu.memory_space<vmem>>
      %dma_wait3A_199 = arith.constant 0 : i32
      %dma_wait3A_200 = arith.constant 0 : i32
      %dma_wait3A_201 = tpu.memref_slice %arg2[%dma_wait3A_199, %dma_wait3A_200] : memref<32x1000000xf32, #tpu.memory_space<hbm>> -> memref<32x128xf32, #tpu.memory_space<hbm>>
      tpu.wait_dma2 semaphore(%arg6 : memref<!tpu.dma_semaphore, #tpu.memory_space<semaphore_mem>>) src(%dma_wait3A_201 : memref<32x128xf32, #tpu.memory_space<hbm>>) dst(%dma_wait3A_198 : memref<32x128xf32, #tpu.memory_space<vmem>>)
      %dma_wait3A_202 = arith.constant 0 : i32
      %dma_wait3A_203 = arith.constant 0 : i32
      %dma_wait3A_204 = arith.constant 0 : i32
      %dma_wait3A_205 = tpu.memref_slice %arg5[%dma_wait3A_202, %dma_wait3A_203, %dma_wait3A_204] : memref<2x32x128xf32, #tpu.memory_space<vmem>> -> memref<1x32x128xf32, #tpu.memory_space<vmem>>
      %dma_wait3A_206 = tpu.memref_squeeze %dma_wait3A_205 : memref<1x32x128xf32, #tpu.memory_space<vmem>> -> memref<32x128xf32, #tpu.memory_space<vmem>>
      %dma_wait3A_207 = arith.constant 0 : i32
      %dma_wait3A_208 = arith.constant 0 : i32
      %dma_wait3A_209 = tpu.memref_slice %arg3[%dma_wait3A_207, %dma_wait3A_208] : memref<250000x128xf32, #tpu.memory_space<hbm>> -> memref<32x128xf32, #tpu.memory_space<hbm>>
      %dma_wait3A_210 = arith.constant 0 : i32
      %dma_wait3A_211 = arith.constant 0 : i32
      %dma_wait3A_212 = tpu.memref_slice %arg5[%dma_wait3A_202, %dma_wait3A_210, %dma_wait3A_211] : memref<2x32x128xf32, #tpu.memory_space<vmem>> -> memref<1x32x128xf32, #tpu.memory_space<vmem>>
      %dma_wait3A_213 = tpu.memref_squeeze %dma_wait3A_212 : memref<1x32x128xf32, #tpu.memory_space<vmem>> -> memref<32x128xf32, #tpu.memory_space<vmem>>
      %dma_wait3A_214 = arith.constant 0 : i32
      %dma_wait3A_215 = arith.constant 0 : i32
      %dma_wait3A_216 = tpu.memref_slice %arg3[%dma_wait3A_214, %dma_wait3A_215] : memref<250000x128xf32, #tpu.memory_space<hbm>> -> memref<32x128xf32, #tpu.memory_space<hbm>>
      tpu.wait_dma2 semaphore(%arg8 : memref<!tpu.dma_semaphore, #tpu.memory_space<semaphore_mem>>) src(%dma_wait3A_216 : memref<32x128xf32, #tpu.memory_space<hbm>>) dst(%dma_wait3A_213 : memref<32x128xf32, #tpu.memory_space<vmem>>)
      %parallel_loop3A = arith.constant 0 : i32
      %parallel_loop3A_217 = arith.constant 128 : i32
      %parallel_loop3A_218 = arith.constant 1 : i32
      %parallel_loop3A_219 = arith.constant 0 : i32
      %parallel_loop3A_220 = arith.constant 0 : i32
      scf.for %parallel_loop3A_370 = %parallel_loop3A to %parallel_loop3A_217 step %parallel_loop3A_218  : i32 {
        %parallel_loop3A_371 = arith.constant 0 : i32
        %parallel_loop3A_372 = vector.broadcast %parallel_loop3A_371 : i32 to vector<16xi32>
        %parallel_loop3A_373 = vector.broadcast %parallel_loop3A_370 : i32 to vector<16xi32>
        %parallel_loop3A_374 = arith.addi %parallel_loop3A_372, %parallel_loop3A_373 : vector<16xi32>
        %parallel_loop3A_375 = arith.constant 0 : i32
        %parallel_loop3A_376 = arith.constant 0 : i32
        %parallel_loop3A_377 = tpu.memref_slice %arg4[%parallel_loop3A_219, %parallel_loop3A_375, %parallel_loop3A_376] : memref<2x32x129xf32, #tpu.memory_space<vmem>> -> memref<1x32x129xf32, #tpu.memory_space<vmem>>
        %parallel_loop3A_378 = tpu.memref_squeeze %parallel_loop3A_377 : memref<1x32x129xf32, #tpu.memory_space<vmem>> -> memref<32x129xf32, #tpu.memory_space<vmem>>
        %parallel_loop3A_379 = tpu.vector_load_idx %parallel_loop3A_378[%add3A_3, %parallel_loop3A_374] : memref<32x129xf32, #tpu.memory_space<vmem>>[vector<16xi32>, vector<16xi32>], vector<16xf32>,
        %parallel_loop3A_380 = arith.constant 32 : i32
        %parallel_loop3A_381 = arith.muli %parallel_loop3A_370, %parallel_loop3A_380 : i32
        %parallel_loop3A_382 = arith.constant 0 : i32
        %parallel_loop3A_383 = arith.addi %parallel_loop3A_381, %parallel_loop3A_382 : i32
        %parallel_loop3A_384 = arith.constant 128 : i32
        %parallel_loop3A_385 = arith.divsi %parallel_loop3A_383, %parallel_loop3A_384 : i32
        %parallel_loop3A_386 = arith.constant 0 : i32
        %parallel_loop3A_387 = arith.cmpi sgt, %parallel_loop3A_383, %parallel_loop3A_386 : i32
        %parallel_loop3A_388 = arith.extui %parallel_loop3A_387 : i1 to i32
        %parallel_loop3A_389 = arith.constant 0 : i32
        %parallel_loop3A_390 = arith.cmpi slt, %parallel_loop3A_383, %parallel_loop3A_389 : i32
        %parallel_loop3A_391 = arith.extui %parallel_loop3A_390 : i1 to i32
        %parallel_loop3A_392 = arith.subi %parallel_loop3A_388, %parallel_loop3A_391 : i32
        %parallel_loop3A_393 = arith.constant 0 : i32
        %parallel_loop3A_394 = arith.cmpi sgt, %parallel_loop3A_384, %parallel_loop3A_393 : i32
        %parallel_loop3A_395 = arith.extui %parallel_loop3A_394 : i1 to i32
        %parallel_loop3A_396 = arith.constant 0 : i32
        %parallel_loop3A_397 = arith.cmpi slt, %parallel_loop3A_384, %parallel_loop3A_396 : i32
        %parallel_loop3A_398 = arith.extui %parallel_loop3A_397 : i1 to i32
        %parallel_loop3A_399 = arith.subi %parallel_loop3A_395, %parallel_loop3A_398 : i32
        %parallel_loop3A_400 = arith.cmpi ne, %parallel_loop3A_392, %parallel_loop3A_399 : i32
        %parallel_loop3A_401 = arith.remsi %parallel_loop3A_383, %parallel_loop3A_384 : i32
        %parallel_loop3A_402 = arith.constant 0 : i32
        %parallel_loop3A_403 = arith.cmpi ne, %parallel_loop3A_401, %parallel_loop3A_402 : i32
        %parallel_loop3A_404 = arith.andi %parallel_loop3A_400, %parallel_loop3A_403 : i1
        %parallel_loop3A_405 = arith.constant 1 : i32
        %parallel_loop3A_406 = arith.subi %parallel_loop3A_385, %parallel_loop3A_405 : i32
        %parallel_loop3A_407 = arith.select %parallel_loop3A_404, %parallel_loop3A_406, %parallel_loop3A_385 : i32
        %parallel_loop3A_408 = arith.constant 128 : i32
        %parallel_loop3A_409 = arith.constant 0 : i32
        %parallel_loop3A_410 = arith.cmpi eq, %parallel_loop3A_408, %parallel_loop3A_409 : i32
        %parallel_loop3A_411 = arith.constant 1 : i32
        %parallel_loop3A_412 = arith.select %parallel_loop3A_410, %parallel_loop3A_411, %parallel_loop3A_408 : i32
        %parallel_loop3A_413 = arith.remsi %parallel_loop3A_383, %parallel_loop3A_412 : i32
        %parallel_loop3A_414 = arith.constant 0 : i32
        %parallel_loop3A_415 = arith.cmpi ne, %parallel_loop3A_413, %parallel_loop3A_414 : i32
        %parallel_loop3A_416 = arith.constant 0 : i32
        %parallel_loop3A_417 = arith.cmpi slt, %parallel_loop3A_413, %parallel_loop3A_416 : i32
        %parallel_loop3A_418 = arith.constant 0 : i32
        %parallel_loop3A_419 = arith.cmpi slt, %parallel_loop3A_412, %parallel_loop3A_418 : i32
        %parallel_loop3A_420 = arith.xori %parallel_loop3A_417, %parallel_loop3A_419 : i1
        %parallel_loop3A_421 = arith.andi %parallel_loop3A_420, %parallel_loop3A_415 : i1
        %parallel_loop3A_422 = arith.addi %parallel_loop3A_413, %parallel_loop3A_412 : i32
        %parallel_loop3A_423 = arith.select %parallel_loop3A_421, %parallel_loop3A_422, %parallel_loop3A_413 : i32
        %parallel_loop3A_424 = arith.constant 0 : i32
        %parallel_loop3A_425 = arith.constant 0 : i32
        %parallel_loop3A_426 = tpu.memref_slice %arg5[%parallel_loop3A_220, %parallel_loop3A_424, %parallel_loop3A_425] : memref<2x32x128xf32, #tpu.memory_space<vmem>> -> memref<1x32x128xf32, #tpu.memory_space<vmem>>
        %parallel_loop3A_427 = tpu.memref_squeeze %parallel_loop3A_426 : memref<1x32x128xf32, #tpu.memory_space<vmem>> -> memref<32x128xf32, #tpu.memory_space<vmem>>
        %parallel_loop3A_428 = arith.index_cast %parallel_loop3A_407 : i32 to index
        %parallel_loop3A_429 = arith.index_cast %parallel_loop3A_423 : i32 to index
        %parallel_loop3A_430 = tpu.vector_load %parallel_loop3A_427[%parallel_loop3A_428, %parallel_loop3A_429] {strides = array<i32>} : memref<32x128xf32, #tpu.memory_space<vmem>>, vector<16xf32>,
        tpu.vector_store %parallel_loop3A_427[%parallel_loop3A_428, %parallel_loop3A_429], %parallel_loop3A_379 {strides = array<i32>} : memref<32x128xf32, #tpu.memory_space<vmem>>, vector<16xf32>,
        %parallel_loop3A_431 = arith.constant 0 : i32
        %parallel_loop3A_432 = arith.constant 0 : i32
        %parallel_loop3A_433 = tpu.memref_slice %arg4[%parallel_loop3A_219, %parallel_loop3A_431, %parallel_loop3A_432] : memref<2x32x129xf32, #tpu.memory_space<vmem>> -> memref<1x32x129xf32, #tpu.memory_space<vmem>>
        %parallel_loop3A_434 = tpu.memref_squeeze %parallel_loop3A_433 : memref<1x32x129xf32, #tpu.memory_space<vmem>> -> memref<32x129xf32, #tpu.memory_space<vmem>>
        %parallel_loop3A_435 = tpu.vector_load_idx %parallel_loop3A_434[%add3A_6, %parallel_loop3A_374] : memref<32x129xf32, #tpu.memory_space<vmem>>[vector<16xi32>, vector<16xi32>], vector<16xf32>,
        %parallel_loop3A_436 = arith.constant 32 : i32
        %parallel_loop3A_437 = arith.muli %parallel_loop3A_370, %parallel_loop3A_436 : i32
        %parallel_loop3A_438 = arith.constant 16 : i32
        %parallel_loop3A_439 = arith.addi %parallel_loop3A_437, %parallel_loop3A_438 : i32
        %parallel_loop3A_440 = arith.constant 128 : i32
        %parallel_loop3A_441 = arith.divsi %parallel_loop3A_439, %parallel_loop3A_440 : i32
        %parallel_loop3A_442 = arith.constant 0 : i32
        %parallel_loop3A_443 = arith.cmpi sgt, %parallel_loop3A_439, %parallel_loop3A_442 : i32
        %parallel_loop3A_444 = arith.extui %parallel_loop3A_443 : i1 to i32
        %parallel_loop3A_445 = arith.constant 0 : i32
        %parallel_loop3A_446 = arith.cmpi slt, %parallel_loop3A_439, %parallel_loop3A_445 : i32
        %parallel_loop3A_447 = arith.extui %parallel_loop3A_446 : i1 to i32
        %parallel_loop3A_448 = arith.subi %parallel_loop3A_444, %parallel_loop3A_447 : i32
        %parallel_loop3A_449 = arith.constant 0 : i32
        %parallel_loop3A_450 = arith.cmpi sgt, %parallel_loop3A_440, %parallel_loop3A_449 : i32
        %parallel_loop3A_451 = arith.extui %parallel_loop3A_450 : i1 to i32
        %parallel_loop3A_452 = arith.constant 0 : i32
        %parallel_loop3A_453 = arith.cmpi slt, %parallel_loop3A_440, %parallel_loop3A_452 : i32
        %parallel_loop3A_454 = arith.extui %parallel_loop3A_453 : i1 to i32
        %parallel_loop3A_455 = arith.subi %parallel_loop3A_451, %parallel_loop3A_454 : i32
        %parallel_loop3A_456 = arith.cmpi ne, %parallel_loop3A_448, %parallel_loop3A_455 : i32
        %parallel_loop3A_457 = arith.remsi %parallel_loop3A_439, %parallel_loop3A_440 : i32
        %parallel_loop3A_458 = arith.constant 0 : i32
        %parallel_loop3A_459 = arith.cmpi ne, %parallel_loop3A_457, %parallel_loop3A_458 : i32
        %parallel_loop3A_460 = arith.andi %parallel_loop3A_456, %parallel_loop3A_459 : i1
        %parallel_loop3A_461 = arith.constant 1 : i32
        %parallel_loop3A_462 = arith.subi %parallel_loop3A_441, %parallel_loop3A_461 : i32
        %parallel_loop3A_463 = arith.select %parallel_loop3A_460, %parallel_loop3A_462, %parallel_loop3A_441 : i32
        %parallel_loop3A_464 = arith.constant 128 : i32
        %parallel_loop3A_465 = arith.constant 0 : i32
        %parallel_loop3A_466 = arith.cmpi eq, %parallel_loop3A_464, %parallel_loop3A_465 : i32
        %parallel_loop3A_467 = arith.constant 1 : i32
        %parallel_loop3A_468 = arith.select %parallel_loop3A_466, %parallel_loop3A_467, %parallel_loop3A_464 : i32
        %parallel_loop3A_469 = arith.remsi %parallel_loop3A_439, %parallel_loop3A_468 : i32
        %parallel_loop3A_470 = arith.constant 0 : i32
        %parallel_loop3A_471 = arith.cmpi ne, %parallel_loop3A_469, %parallel_loop3A_470 : i32
        %parallel_loop3A_472 = arith.constant 0 : i32
        %parallel_loop3A_473 = arith.cmpi slt, %parallel_loop3A_469, %parallel_loop3A_472 : i32
        %parallel_loop3A_474 = arith.constant 0 : i32
        %parallel_loop3A_475 = arith.cmpi slt, %parallel_loop3A_468, %parallel_loop3A_474 : i32
        %parallel_loop3A_476 = arith.xori %parallel_loop3A_473, %parallel_loop3A_475 : i1
        %parallel_loop3A_477 = arith.andi %parallel_loop3A_476, %parallel_loop3A_471 : i1
        %parallel_loop3A_478 = arith.addi %parallel_loop3A_469, %parallel_loop3A_468 : i32
        %parallel_loop3A_479 = arith.select %parallel_loop3A_477, %parallel_loop3A_478, %parallel_loop3A_469 : i32
        %parallel_loop3A_480 = arith.constant 0 : i32
        %parallel_loop3A_481 = arith.constant 0 : i32
        %parallel_loop3A_482 = tpu.memref_slice %arg5[%parallel_loop3A_220, %parallel_loop3A_480, %parallel_loop3A_481] : memref<2x32x128xf32, #tpu.memory_space<vmem>> -> memref<1x32x128xf32, #tpu.memory_space<vmem>>
        %parallel_loop3A_483 = tpu.memref_squeeze %parallel_loop3A_482 : memref<1x32x128xf32, #tpu.memory_space<vmem>> -> memref<32x128xf32, #tpu.memory_space<vmem>>
        %parallel_loop3A_484 = arith.index_cast %parallel_loop3A_463 : i32 to index
        %parallel_loop3A_485 = arith.index_cast %parallel_loop3A_479 : i32 to index
        %parallel_loop3A_486 = tpu.vector_load %parallel_loop3A_483[%parallel_loop3A_484, %parallel_loop3A_485] {strides = array<i32>} : memref<32x128xf32, #tpu.memory_space<vmem>>, vector<16xf32>,
        tpu.vector_store %parallel_loop3A_483[%parallel_loop3A_484, %parallel_loop3A_485], %parallel_loop3A_435 {strides = array<i32>} : memref<32x128xf32, #tpu.memory_space<vmem>>, vector<16xf32>,
      } {sc.loop_unroll_factor = 4 : i64, sc.parallel_access}
      %mul3A_221 = arith.constant 32 : i32
      %mul3A_222 = arith.muli %add3A_180, %mul3A_221 : i32
      %add3A_223 = arith.addi %mul3A_222, %add3A : i32
      %lt3A_224 = arith.constant 7812 : i32
      %lt3A_225 = arith.cmpi slt, %add3A_223, %lt3A_224 : i32
      %select_n3A_226 = arith.constant 7811 : i32
      %select_n3A_227 = arith.select %lt3A_225, %add3A_223, %select_n3A_226 : i32
      %mul3A_228 = arith.constant 32 : i32
      %mul3A_229 = arith.muli %select_n3A_227, %mul3A_228 : i32
      %dma_start3A_230 = arith.constant 0 : i32
      %dma_start3A_231 = arith.constant 0 : i32
      %dma_start3A_232 = arith.constant 0 : i32
      %dma_start3A_233 = tpu.memref_slice %arg5[%dma_start3A_230, %dma_start3A_231, %dma_start3A_232] : memref<2x32x128xf32, #tpu.memory_space<vmem>> -> memref<1x32x128xf32, #tpu.memory_space<vmem>>
      %dma_start3A_234 = tpu.memref_squeeze %dma_start3A_233 : memref<1x32x128xf32, #tpu.memory_space<vmem>> -> memref<32x128xf32, #tpu.memory_space<vmem>>
      %dma_start3A_235 = arith.constant 0 : i32
      %dma_start3A_236 = tpu.memref_slice %arg3[%mul3A_229, %dma_start3A_235] : memref<250000x128xf32, #tpu.memory_space<hbm>> -> memref<32x128xf32, #tpu.memory_space<hbm>>
      %dma_start3A_237 = arith.constant 0 : i32
      %dma_start3A_238 = tpu.memref_slice %arg3[%mul3A_229, %dma_start3A_237] : memref<250000x128xf32, #tpu.memory_space<hbm>> -> memref<32x128xf32, #tpu.memory_space<hbm>>
      %dma_start3A_239 = arith.constant 0 : i32
      %dma_start3A_240 = arith.constant 0 : i32
      %dma_start3A_241 = tpu.memref_slice %arg5[%dma_start3A_230, %dma_start3A_239, %dma_start3A_240] : memref<2x32x128xf32, #tpu.memory_space<vmem>> -> memref<1x32x128xf32, #tpu.memory_space<vmem>>
      %dma_start3A_242 = tpu.memref_squeeze %dma_start3A_241 : memref<1x32x128xf32, #tpu.memory_space<vmem>> -> memref<32x128xf32, #tpu.memory_space<vmem>>
      tpu.enqueue_dma source(%dma_start3A_242 : memref<32x128xf32, #tpu.memory_space<vmem>>) target(%dma_start3A_238 : memref<32x128xf32, #tpu.memory_space<hbm>>) target_semaphore(%arg8 : memref<!tpu.dma_semaphore, #tpu.memory_space<semaphore_mem>>)
      %add3A_243 = arith.constant 2 : i32
      %add3A_244 = arith.addi %add3A_180, %add3A_243 : i32
      %mul3A_245 = arith.constant 32 : i32
      %mul3A_246 = arith.muli %add3A_244, %mul3A_245 : i32
      %add3A_247 = arith.addi %mul3A_246, %add3A : i32
      %lt3A_248 = arith.constant 7812 : i32
      %lt3A_249 = arith.cmpi slt, %add3A_247, %lt3A_248 : i32
      %select_n3A_250 = arith.constant 7811 : i32
      %select_n3A_251 = arith.select %lt3A_249, %add3A_247, %select_n3A_250 : i32
      %mul3A_252 = arith.constant 128 : i32
      %mul3A_253 = arith.muli %select_n3A_251, %mul3A_252 : i32
      %dma_start3A_254 = arith.constant 0 : i32
      %dma_start3A_255 = arith.constant 0 : i32
      %dma_start3A_256 = arith.constant 0 : i32
      %dma_start3A_257 = tpu.memref_slice %arg4[%dma_start3A_254, %dma_start3A_255, %dma_start3A_256] : memref<2x32x129xf32, #tpu.memory_space<vmem>> -> memref<1x32x129xf32, #tpu.memory_space<vmem>>
      %dma_start3A_258 = tpu.memref_squeeze %dma_start3A_257 : memref<1x32x129xf32, #tpu.memory_space<vmem>> -> memref<32x129xf32, #tpu.memory_space<vmem>>
      %dma_start3A_259 = arith.constant 0 : i32
      %dma_start3A_260 = arith.constant 0 : i32
      %dma_start3A_261 = tpu.memref_slice %dma_start3A_258[%dma_start3A_259, %dma_start3A_260] : memref<32x129xf32, #tpu.memory_space<vmem>> -> memref<32x128xf32, #tpu.memory_space<vmem>>
      %dma_start3A_262 = arith.constant 0 : i32
      %dma_start3A_263 = tpu.memref_slice %arg2[%dma_start3A_262, %mul3A_253] : memref<32x1000000xf32, #tpu.memory_space<hbm>> -> memref<32x128xf32, #tpu.memory_space<hbm>>
      %dma_start3A_264 = arith.constant 0 : i32
      %dma_start3A_265 = arith.constant 0 : i32
      %dma_start3A_266 = tpu.memref_slice %arg4[%dma_start3A_254, %dma_start3A_264, %dma_start3A_265] : memref<2x32x129xf32, #tpu.memory_space<vmem>> -> memref<1x32x129xf32, #tpu.memory_space<vmem>>
      %dma_start3A_267 = tpu.memref_squeeze %dma_start3A_266 : memref<1x32x129xf32, #tpu.memory_space<vmem>> -> memref<32x129xf32, #tpu.memory_space<vmem>>
      %dma_start3A_268 = arith.constant 0 : i32
      %dma_start3A_269 = arith.constant 0 : i32
      %dma_start3A_270 = tpu.memref_slice %dma_start3A_267[%dma_start3A_268, %dma_start3A_269] : memref<32x129xf32, #tpu.memory_space<vmem>> -> memref<32x128xf32, #tpu.memory_space<vmem>>
      %dma_start3A_271 = arith.constant 0 : i32
      %dma_start3A_272 = tpu.memref_slice %arg2[%dma_start3A_271, %mul3A_253] : memref<32x1000000xf32, #tpu.memory_space<hbm>> -> memref<32x128xf32, #tpu.memory_space<hbm>>
      tpu.enqueue_dma source(%dma_start3A_272 : memref<32x128xf32, #tpu.memory_space<hbm>>) target(%dma_start3A_270 : memref<32x128xf32, #tpu.memory_space<vmem>>) target_semaphore(%arg6 : memref<!tpu.dma_semaphore, #tpu.memory_space<semaphore_mem>>)
      %mul3A_273 = arith.constant 2 : i32
      %mul3A_274 = arith.muli %mul3A_273, %scan3A_176 : i32
      %add3A_275 = arith.constant 1 : i32
      %add3A_276 = arith.addi %mul3A_274, %add3A_275 : i32
      %dma_wait3A_277 = arith.constant 1 : i32
      %dma_wait3A_278 = arith.constant 0 : i32
      %dma_wait3A_279 = arith.constant 0 : i32
      %dma_wait3A_280 = tpu.memref_slice %arg4[%dma_wait3A_277, %dma_wait3A_278, %dma_wait3A_279] : memref<2x32x129xf32, #tpu.memory_space<vmem>> -> memref<1x32x129xf32, #tpu.memory_space<vmem>>
      %dma_wait3A_281 = tpu.memref_squeeze %dma_wait3A_280 : memref<1x32x129xf32, #tpu.memory_space<vmem>> -> memref<32x129xf32, #tpu.memory_space<vmem>>
      %dma_wait3A_282 = arith.constant 0 : i32
      %dma_wait3A_283 = arith.constant 0 : i32
      %dma_wait3A_284 = tpu.memref_slice %dma_wait3A_281[%dma_wait3A_282, %dma_wait3A_283] : memref<32x129xf32, #tpu.memory_space<vmem>> -> memref<32x128xf32, #tpu.memory_space<vmem>>
      %dma_wait3A_285 = arith.constant 0 : i32
      %dma_wait3A_286 = arith.constant 0 : i32
      %dma_wait3A_287 = tpu.memref_slice %arg2[%dma_wait3A_285, %dma_wait3A_286] : memref<32x1000000xf32, #tpu.memory_space<hbm>> -> memref<32x128xf32, #tpu.memory_space<hbm>>
      %dma_wait3A_288 = arith.constant 0 : i32
      %dma_wait3A_289 = arith.constant 0 : i32
      %dma_wait3A_290 = tpu.memref_slice %arg4[%dma_wait3A_277, %dma_wait3A_288, %dma_wait3A_289] : memref<2x32x129xf32, #tpu.memory_space<vmem>> -> memref<1x32x129xf32, #tpu.memory_space<vmem>>
      %dma_wait3A_291 = tpu.memref_squeeze %dma_wait3A_290 : memref<1x32x129xf32, #tpu.memory_space<vmem>> -> memref<32x129xf32, #tpu.memory_space<vmem>>
      %dma_wait3A_292 = arith.constant 0 : i32
      %dma_wait3A_293 = arith.constant 0 : i32
      %dma_wait3A_294 = tpu.memref_slice %dma_wait3A_291[%dma_wait3A_292, %dma_wait3A_293] : memref<32x129xf32, #tpu.memory_space<vmem>> -> memref<32x128xf32, #tpu.memory_space<vmem>>
      %dma_wait3A_295 = arith.constant 0 : i32
      %dma_wait3A_296 = arith.constant 0 : i32
      %dma_wait3A_297 = tpu.memref_slice %arg2[%dma_wait3A_295, %dma_wait3A_296] : memref<32x1000000xf32, #tpu.memory_space<hbm>> -> memref<32x128xf32, #tpu.memory_space<hbm>>
      tpu.wait_dma2 semaphore(%arg7 : memref<!tpu.dma_semaphore, #tpu.memory_space<semaphore_mem>>) src(%dma_wait3A_297 : memref<32x128xf32, #tpu.memory_space<hbm>>) dst(%dma_wait3A_294 : memref<32x128xf32, #tpu.memory_space<vmem>>)
      %dma_wait3A_298 = arith.constant 1 : i32
      %dma_wait3A_299 = arith.constant 0 : i32
      %dma_wait3A_300 = arith.constant 0 : i32
      %dma_wait3A_301 = tpu.memref_slice %arg5[%dma_wait3A_298, %dma_wait3A_299, %dma_wait3A_300] : memref<2x32x128xf32, #tpu.memory_space<vmem>> -> memref<1x32x128xf32, #tpu.memory_space<vmem>>
      %dma_wait3A_302 = tpu.memref_squeeze %dma_wait3A_301 : memref<1x32x128xf32, #tpu.memory_space<vmem>> -> memref<32x128xf32, #tpu.memory_space<vmem>>
      %dma_wait3A_303 = arith.constant 0 : i32
      %dma_wait3A_304 = arith.constant 0 : i32
      %dma_wait3A_305 = tpu.memref_slice %arg3[%dma_wait3A_303, %dma_wait3A_304] : memref<250000x128xf32, #tpu.memory_space<hbm>> -> memref<32x128xf32, #tpu.memory_space<hbm>>
      %dma_wait3A_306 = arith.constant 0 : i32
      %dma_wait3A_307 = arith.constant 0 : i32
      %dma_wait3A_308 = tpu.memref_slice %arg5[%dma_wait3A_298, %dma_wait3A_306, %dma_wait3A_307] : memref<2x32x128xf32, #tpu.memory_space<vmem>> -> memref<1x32x128xf32, #tpu.memory_space<vmem>>
      %dma_wait3A_309 = tpu.memref_squeeze %dma_wait3A_308 : memref<1x32x128xf32, #tpu.memory_space<vmem>> -> memref<32x128xf32, #tpu.memory_space<vmem>>
      %dma_wait3A_310 = arith.constant 0 : i32
      %dma_wait3A_311 = arith.constant 0 : i32
      %dma_wait3A_312 = tpu.memref_slice %arg3[%dma_wait3A_310, %dma_wait3A_311] : memref<250000x128xf32, #tpu.memory_space<hbm>> -> memref<32x128xf32, #tpu.memory_space<hbm>>
      tpu.wait_dma2 semaphore(%arg9 : memref<!tpu.dma_semaphore, #tpu.memory_space<semaphore_mem>>) src(%dma_wait3A_312 : memref<32x128xf32, #tpu.memory_space<hbm>>) dst(%dma_wait3A_309 : memref<32x128xf32, #tpu.memory_space<vmem>>)
      %parallel_loop3A_313 = arith.constant 0 : i32
      %parallel_loop3A_314 = arith.constant 128 : i32
      %parallel_loop3A_315 = arith.constant 1 : i32
      %parallel_loop3A_316 = arith.constant 1 : i32
      %parallel_loop3A_317 = arith.constant 1 : i32
      scf.for %parallel_loop3A_370 = %parallel_loop3A_313 to %parallel_loop3A_314 step %parallel_loop3A_315  : i32 {
        %parallel_loop3A_371 = arith.constant 0 : i32
        %parallel_loop3A_372 = vector.broadcast %parallel_loop3A_371 : i32 to vector<16xi32>
        %parallel_loop3A_373 = vector.broadcast %parallel_loop3A_370 : i32 to vector<16xi32>
        %parallel_loop3A_374 = arith.addi %parallel_loop3A_372, %parallel_loop3A_373 : vector<16xi32>
        %parallel_loop3A_375 = arith.constant 0 : i32
        %parallel_loop3A_376 = arith.constant 0 : i32
        %parallel_loop3A_377 = tpu.memref_slice %arg4[%parallel_loop3A_316, %parallel_loop3A_375, %parallel_loop3A_376] : memref<2x32x129xf32, #tpu.memory_space<vmem>> -> memref<1x32x129xf32, #tpu.memory_space<vmem>>
        %parallel_loop3A_378 = tpu.memref_squeeze %parallel_loop3A_377 : memref<1x32x129xf32, #tpu.memory_space<vmem>> -> memref<32x129xf32, #tpu.memory_space<vmem>>
        %parallel_loop3A_379 = tpu.vector_load_idx %parallel_loop3A_378[%add3A_3, %parallel_loop3A_374] : memref<32x129xf32, #tpu.memory_space<vmem>>[vector<16xi32>, vector<16xi32>], vector<16xf32>,
        %parallel_loop3A_380 = arith.constant 32 : i32
        %parallel_loop3A_381 = arith.muli %parallel_loop3A_370, %parallel_loop3A_380 : i32
        %parallel_loop3A_382 = arith.constant 0 : i32
        %parallel_loop3A_383 = arith.addi %parallel_loop3A_381, %parallel_loop3A_382 : i32
        %parallel_loop3A_384 = arith.constant 128 : i32
        %parallel_loop3A_385 = arith.divsi %parallel_loop3A_383, %parallel_loop3A_384 : i32
        %parallel_loop3A_386 = arith.constant 0 : i32
        %parallel_loop3A_387 = arith.cmpi sgt, %parallel_loop3A_383, %parallel_loop3A_386 : i32
        %parallel_loop3A_388 = arith.extui %parallel_loop3A_387 : i1 to i32
        %parallel_loop3A_389 = arith.constant 0 : i32
        %parallel_loop3A_390 = arith.cmpi slt, %parallel_loop3A_383, %parallel_loop3A_389 : i32
        %parallel_loop3A_391 = arith.extui %parallel_loop3A_390 : i1 to i32
        %parallel_loop3A_392 = arith.subi %parallel_loop3A_388, %parallel_loop3A_391 : i32
        %parallel_loop3A_393 = arith.constant 0 : i32
        %parallel_loop3A_394 = arith.cmpi sgt, %parallel_loop3A_384, %parallel_loop3A_393 : i32
        %parallel_loop3A_395 = arith.extui %parallel_loop3A_394 : i1 to i32
        %parallel_loop3A_396 = arith.constant 0 : i32
        %parallel_loop3A_397 = arith.cmpi slt, %parallel_loop3A_384, %parallel_loop3A_396 : i32
        %parallel_loop3A_398 = arith.extui %parallel_loop3A_397 : i1 to i32
        %parallel_loop3A_399 = arith.subi %parallel_loop3A_395, %parallel_loop3A_398 : i32
        %parallel_loop3A_400 = arith.cmpi ne, %parallel_loop3A_392, %parallel_loop3A_399 : i32
        %parallel_loop3A_401 = arith.remsi %parallel_loop3A_383, %parallel_loop3A_384 : i32
        %parallel_loop3A_402 = arith.constant 0 : i32
        %parallel_loop3A_403 = arith.cmpi ne, %parallel_loop3A_401, %parallel_loop3A_402 : i32
        %parallel_loop3A_404 = arith.andi %parallel_loop3A_400, %parallel_loop3A_403 : i1
        %parallel_loop3A_405 = arith.constant 1 : i32
        %parallel_loop3A_406 = arith.subi %parallel_loop3A_385, %parallel_loop3A_405 : i32
        %parallel_loop3A_407 = arith.select %parallel_loop3A_404, %parallel_loop3A_406, %parallel_loop3A_385 : i32
        %parallel_loop3A_408 = arith.constant 128 : i32
        %parallel_loop3A_409 = arith.constant 0 : i32
        %parallel_loop3A_410 = arith.cmpi eq, %parallel_loop3A_408, %parallel_loop3A_409 : i32
        %parallel_loop3A_411 = arith.constant 1 : i32
        %parallel_loop3A_412 = arith.select %parallel_loop3A_410, %parallel_loop3A_411, %parallel_loop3A_408 : i32
        %parallel_loop3A_413 = arith.remsi %parallel_loop3A_383, %parallel_loop3A_412 : i32
        %parallel_loop3A_414 = arith.constant 0 : i32
        %parallel_loop3A_415 = arith.cmpi ne, %parallel_loop3A_413, %parallel_loop3A_414 : i32
        %parallel_loop3A_416 = arith.constant 0 : i32
        %parallel_loop3A_417 = arith.cmpi slt, %parallel_loop3A_413, %parallel_loop3A_416 : i32
        %parallel_loop3A_418 = arith.constant 0 : i32
        %parallel_loop3A_419 = arith.cmpi slt, %parallel_loop3A_412, %parallel_loop3A_418 : i32
        %parallel_loop3A_420 = arith.xori %parallel_loop3A_417, %parallel_loop3A_419 : i1
        %parallel_loop3A_421 = arith.andi %parallel_loop3A_420, %parallel_loop3A_415 : i1
        %parallel_loop3A_422 = arith.addi %parallel_loop3A_413, %parallel_loop3A_412 : i32
        %parallel_loop3A_423 = arith.select %parallel_loop3A_421, %parallel_loop3A_422, %parallel_loop3A_413 : i32
        %parallel_loop3A_424 = arith.constant 0 : i32
        %parallel_loop3A_425 = arith.constant 0 : i32
        %parallel_loop3A_426 = tpu.memref_slice %arg5[%parallel_loop3A_317, %parallel_loop3A_424, %parallel_loop3A_425] : memref<2x32x128xf32, #tpu.memory_space<vmem>> -> memref<1x32x128xf32, #tpu.memory_space<vmem>>
        %parallel_loop3A_427 = tpu.memref_squeeze %parallel_loop3A_426 : memref<1x32x128xf32, #tpu.memory_space<vmem>> -> memref<32x128xf32, #tpu.memory_space<vmem>>
        %parallel_loop3A_428 = arith.index_cast %parallel_loop3A_407 : i32 to index
        %parallel_loop3A_429 = arith.index_cast %parallel_loop3A_423 : i32 to index
        %parallel_loop3A_430 = tpu.vector_load %parallel_loop3A_427[%parallel_loop3A_428, %parallel_loop3A_429] {strides = array<i32>} : memref<32x128xf32, #tpu.memory_space<vmem>>, vector<16xf32>,
        tpu.vector_store %parallel_loop3A_427[%parallel_loop3A_428, %parallel_loop3A_429], %parallel_loop3A_379 {strides = array<i32>} : memref<32x128xf32, #tpu.memory_space<vmem>>, vector<16xf32>,
        %parallel_loop3A_431 = arith.constant 0 : i32
        %parallel_loop3A_432 = arith.constant 0 : i32
        %parallel_loop3A_433 = tpu.memref_slice %arg4[%parallel_loop3A_316, %parallel_loop3A_431, %parallel_loop3A_432] : memref<2x32x129xf32, #tpu.memory_space<vmem>> -> memref<1x32x129xf32, #tpu.memory_space<vmem>>
        %parallel_loop3A_434 = tpu.memref_squeeze %parallel_loop3A_433 : memref<1x32x129xf32, #tpu.memory_space<vmem>> -> memref<32x129xf32, #tpu.memory_space<vmem>>
        %parallel_loop3A_435 = tpu.vector_load_idx %parallel_loop3A_434[%add3A_6, %parallel_loop3A_374] : memref<32x129xf32, #tpu.memory_space<vmem>>[vector<16xi32>, vector<16xi32>], vector<16xf32>,
        %parallel_loop3A_436 = arith.constant 32 : i32
        %parallel_loop3A_437 = arith.muli %parallel_loop3A_370, %parallel_loop3A_436 : i32
        %parallel_loop3A_438 = arith.constant 16 : i32
        %parallel_loop3A_439 = arith.addi %parallel_loop3A_437, %parallel_loop3A_438 : i32
        %parallel_loop3A_440 = arith.constant 128 : i32
        %parallel_loop3A_441 = arith.divsi %parallel_loop3A_439, %parallel_loop3A_440 : i32
        %parallel_loop3A_442 = arith.constant 0 : i32
        %parallel_loop3A_443 = arith.cmpi sgt, %parallel_loop3A_439, %parallel_loop3A_442 : i32
        %parallel_loop3A_444 = arith.extui %parallel_loop3A_443 : i1 to i32
        %parallel_loop3A_445 = arith.constant 0 : i32
        %parallel_loop3A_446 = arith.cmpi slt, %parallel_loop3A_439, %parallel_loop3A_445 : i32
        %parallel_loop3A_447 = arith.extui %parallel_loop3A_446 : i1 to i32
        %parallel_loop3A_448 = arith.subi %parallel_loop3A_444, %parallel_loop3A_447 : i32
        %parallel_loop3A_449 = arith.constant 0 : i32
        %parallel_loop3A_450 = arith.cmpi sgt, %parallel_loop3A_440, %parallel_loop3A_449 : i32
        %parallel_loop3A_451 = arith.extui %parallel_loop3A_450 : i1 to i32
        %parallel_loop3A_452 = arith.constant 0 : i32
        %parallel_loop3A_453 = arith.cmpi slt, %parallel_loop3A_440, %parallel_loop3A_452 : i32
        %parallel_loop3A_454 = arith.extui %parallel_loop3A_453 : i1 to i32
        %parallel_loop3A_455 = arith.subi %parallel_loop3A_451, %parallel_loop3A_454 : i32
        %parallel_loop3A_456 = arith.cmpi ne, %parallel_loop3A_448, %parallel_loop3A_455 : i32
        %parallel_loop3A_457 = arith.remsi %parallel_loop3A_439, %parallel_loop3A_440 : i32
        %parallel_loop3A_458 = arith.constant 0 : i32
        %parallel_loop3A_459 = arith.cmpi ne, %parallel_loop3A_457, %parallel_loop3A_458 : i32
        %parallel_loop3A_460 = arith.andi %parallel_loop3A_456, %parallel_loop3A_459 : i1
        %parallel_loop3A_461 = arith.constant 1 : i32
        %parallel_loop3A_462 = arith.subi %parallel_loop3A_441, %parallel_loop3A_461 : i32
        %parallel_loop3A_463 = arith.select %parallel_loop3A_460, %parallel_loop3A_462, %parallel_loop3A_441 : i32
        %parallel_loop3A_464 = arith.constant 128 : i32
        %parallel_loop3A_465 = arith.constant 0 : i32
        %parallel_loop3A_466 = arith.cmpi eq, %parallel_loop3A_464, %parallel_loop3A_465 : i32
        %parallel_loop3A_467 = arith.constant 1 : i32
        %parallel_loop3A_468 = arith.select %parallel_loop3A_466, %parallel_loop3A_467, %parallel_loop3A_464 : i32
        %parallel_loop3A_469 = arith.remsi %parallel_loop3A_439, %parallel_loop3A_468 : i32
        %parallel_loop3A_470 = arith.constant 0 : i32
        %parallel_loop3A_471 = arith.cmpi ne, %parallel_loop3A_469, %parallel_loop3A_470 : i32
        %parallel_loop3A_472 = arith.constant 0 : i32
        %parallel_loop3A_473 = arith.cmpi slt, %parallel_loop3A_469, %parallel_loop3A_472 : i32
        %parallel_loop3A_474 = arith.constant 0 : i32
        %parallel_loop3A_475 = arith.cmpi slt, %parallel_loop3A_468, %parallel_loop3A_474 : i32
        %parallel_loop3A_476 = arith.xori %parallel_loop3A_473, %parallel_loop3A_475 : i1
        %parallel_loop3A_477 = arith.andi %parallel_loop3A_476, %parallel_loop3A_471 : i1
        %parallel_loop3A_478 = arith.addi %parallel_loop3A_469, %parallel_loop3A_468 : i32
        %parallel_loop3A_479 = arith.select %parallel_loop3A_477, %parallel_loop3A_478, %parallel_loop3A_469 : i32
        %parallel_loop3A_480 = arith.constant 0 : i32
        %parallel_loop3A_481 = arith.constant 0 : i32
        %parallel_loop3A_482 = tpu.memref_slice %arg5[%parallel_loop3A_317, %parallel_loop3A_480, %parallel_loop3A_481] : memref<2x32x128xf32, #tpu.memory_space<vmem>> -> memref<1x32x128xf32, #tpu.memory_space<vmem>>
        %parallel_loop3A_483 = tpu.memref_squeeze %parallel_loop3A_482 : memref<1x32x128xf32, #tpu.memory_space<vmem>> -> memref<32x128xf32, #tpu.memory_space<vmem>>
        %parallel_loop3A_484 = arith.index_cast %parallel_loop3A_463 : i32 to index
        %parallel_loop3A_485 = arith.index_cast %parallel_loop3A_479 : i32 to index
        %parallel_loop3A_486 = tpu.vector_load %parallel_loop3A_483[%parallel_loop3A_484, %parallel_loop3A_485] {strides = array<i32>} : memref<32x128xf32, #tpu.memory_space<vmem>>, vector<16xf32>,
        tpu.vector_store %parallel_loop3A_483[%parallel_loop3A_484, %parallel_loop3A_485], %parallel_loop3A_435 {strides = array<i32>} : memref<32x128xf32, #tpu.memory_space<vmem>>, vector<16xf32>,
      } {sc.loop_unroll_factor = 4 : i64, sc.parallel_access}
      %mul3A_318 = arith.constant 32 : i32
      %mul3A_319 = arith.muli %add3A_276, %mul3A_318 : i32
      %add3A_320 = arith.addi %mul3A_319, %add3A : i32
      %lt3A_321 = arith.constant 7812 : i32
      %lt3A_322 = arith.cmpi slt, %add3A_320, %lt3A_321 : i32
      %select_n3A_323 = arith.constant 7811 : i32
      %select_n3A_324 = arith.select %lt3A_322, %add3A_320, %select_n3A_323 : i32
      %mul3A_325 = arith.constant 32 : i32
      %mul3A_326 = arith.muli %select_n3A_324, %mul3A_325 : i32
      %dma_start3A_327 = arith.constant 1 : i32
      %dma_start3A_328 = arith.constant 0 : i32
      %dma_start3A_329 = arith.constant 0 : i32
      %dma_start3A_330 = tpu.memref_slice %arg5[%dma_start3A_327, %dma_start3A_328, %dma_start3A_329] : memref<2x32x128xf32, #tpu.memory_space<vmem>> -> memref<1x32x128xf32, #tpu.memory_space<vmem>>
      %dma_start3A_331 = tpu.memref_squeeze %dma_start3A_330 : memref<1x32x128xf32, #tpu.memory_space<vmem>> -> memref<32x128xf32, #tpu.memory_space<vmem>>
      %dma_start3A_332 = arith.constant 0 : i32
      %dma_start3A_333 = tpu.memref_slice %arg3[%mul3A_326, %dma_start3A_332] : memref<250000x128xf32, #tpu.memory_space<hbm>> -> memref<32x128xf32, #tpu.memory_space<hbm>>
      %dma_start3A_334 = arith.constant 0 : i32
      %dma_start3A_335 = tpu.memref_slice %arg3[%mul3A_326, %dma_start3A_334] : memref<250000x128xf32, #tpu.memory_space<hbm>> -> memref<32x128xf32, #tpu.memory_space<hbm>>
      %dma_start3A_336 = arith.constant 0 : i32
      %dma_start3A_337 = arith.constant 0 : i32
      %dma_start3A_338 = tpu.memref_slice %arg5[%dma_start3A_327, %dma_start3A_336, %dma_start3A_337] : memref<2x32x128xf32, #tpu.memory_space<vmem>> -> memref<1x32x128xf32, #tpu.memory_space<vmem>>
      %dma_start3A_339 = tpu.memref_squeeze %dma_start3A_338 : memref<1x32x128xf32, #tpu.memory_space<vmem>> -> memref<32x128xf32, #tpu.memory_space<vmem>>
      tpu.enqueue_dma source(%dma_start3A_339 : memref<32x128xf32, #tpu.memory_space<vmem>>) target(%dma_start3A_335 : memref<32x128xf32, #tpu.memory_space<hbm>>) target_semaphore(%arg9 : memref<!tpu.dma_semaphore, #tpu.memory_space<semaphore_mem>>)
      %add3A_340 = arith.constant 2 : i32
      %add3A_341 = arith.addi %add3A_276, %add3A_340 : i32
      %mul3A_342 = arith.constant 32 : i32
      %mul3A_343 = arith.muli %add3A_341, %mul3A_342 : i32
      %add3A_344 = arith.addi %mul3A_343, %add3A : i32
      %lt3A_345 = arith.constant 7812 : i32
      %lt3A_346 = arith.cmpi slt, %add3A_344, %lt3A_345 : i32
      %select_n3A_347 = arith.constant 7811 : i32
      %select_n3A_348 = arith.select %lt3A_346, %add3A_344, %select_n3A_347 : i32
      %mul3A_349 = arith.constant 128 : i32
      %mul3A_350 = arith.muli %select_n3A_348, %mul3A_349 : i32
      %dma_start3A_351 = arith.constant 1 : i32
      %dma_start3A_352 = arith.constant 0 : i32
      %dma_start3A_353 = arith.constant 0 : i32
      %dma_start3A_354 = tpu.memref_slice %arg4[%dma_start3A_351, %dma_start3A_352, %dma_start3A_353] : memref<2x32x129xf32, #tpu.memory_space<vmem>> -> memref<1x32x129xf32, #tpu.memory_space<vmem>>
      %dma_start3A_355 = tpu.memref_squeeze %dma_start3A_354 : memref<1x32x129xf32, #tpu.memory_space<vmem>> -> memref<32x129xf32, #tpu.memory_space<vmem>>
      %dma_start3A_356 = arith.constant 0 : i32
      %dma_start3A_357 = arith.constant 0 : i32
      %dma_start3A_358 = tpu.memref_slice %dma_start3A_355[%dma_start3A_356, %dma_start3A_357] : memref<32x129xf32, #tpu.memory_space<vmem>> -> memref<32x128xf32, #tpu.memory_space<vmem>>
      %dma_start3A_359 = arith.constant 0 : i32
      %dma_start3A_360 = tpu.memref_slice %arg2[%dma_start3A_359, %mul3A_350] : memref<32x1000000xf32, #tpu.memory_space<hbm>> -> memref<32x128xf32, #tpu.memory_space<hbm>>
      %dma_start3A_361 = arith.constant 0 : i32
      %dma_start3A_362 = arith.constant 0 : i32
      %dma_start3A_363 = tpu.memref_slice %arg4[%dma_start3A_351, %dma_start3A_361, %dma_start3A_362] : memref<2x32x129xf32, #tpu.memory_space<vmem>> -> memref<1x32x129xf32, #tpu.memory_space<vmem>>
      %dma_start3A_364 = tpu.memref_squeeze %dma_start3A_363 : memref<1x32x129xf32, #tpu.memory_space<vmem>> -> memref<32x129xf32, #tpu.memory_space<vmem>>
      %dma_start3A_365 = arith.constant 0 : i32
      %dma_start3A_366 = arith.constant 0 : i32
      %dma_start3A_367 = tpu.memref_slice %dma_start3A_364[%dma_start3A_365, %dma_start3A_366] : memref<32x129xf32, #tpu.memory_space<vmem>> -> memref<32x128xf32, #tpu.memory_space<vmem>>
      %dma_start3A_368 = arith.constant 0 : i32
      %dma_start3A_369 = tpu.memref_slice %arg2[%dma_start3A_368, %mul3A_350] : memref<32x1000000xf32, #tpu.memory_space<hbm>> -> memref<32x128xf32, #tpu.memory_space<hbm>>
      tpu.enqueue_dma source(%dma_start3A_369 : memref<32x128xf32, #tpu.memory_space<hbm>>) target(%dma_start3A_367 : memref<32x128xf32, #tpu.memory_space<vmem>>) target_semaphore(%arg7 : memref<!tpu.dma_semaphore, #tpu.memory_space<semaphore_mem>>)
    }
    %scan3A_104 = arith.constant 123 : i32
    %dma_wait3A = arith.constant 0 : i32
    %dma_wait3A_105 = arith.constant 0 : i32
    %dma_wait3A_106 = arith.constant 0 : i32
    %dma_wait3A_107 = tpu.memref_slice %arg4[%dma_wait3A, %dma_wait3A_105, %dma_wait3A_106] : memref<2x32x129xf32, #tpu.memory_space<vmem>> -> memref<1x32x129xf32, #tpu.memory_space<vmem>>
    %dma_wait3A_108 = tpu.memref_squeeze %dma_wait3A_107 : memref<1x32x129xf32, #tpu.memory_space<vmem>> -> memref<32x129xf32, #tpu.memory_space<vmem>>
    %dma_wait3A_109 = arith.constant 0 : i32
    %dma_wait3A_110 = arith.constant 0 : i32
    %dma_wait3A_111 = tpu.memref_slice %dma_wait3A_108[%dma_wait3A_109, %dma_wait3A_110] : memref<32x129xf32, #tpu.memory_space<vmem>> -> memref<32x128xf32, #tpu.memory_space<vmem>>
    %dma_wait3A_112 = arith.constant 0 : i32
    %dma_wait3A_113 = arith.constant 0 : i32
    %dma_wait3A_114 = tpu.memref_slice %arg2[%dma_wait3A_112, %dma_wait3A_113] : memref<32x1000000xf32, #tpu.memory_space<hbm>> -> memref<32x128xf32, #tpu.memory_space<hbm>>
    %dma_wait3A_115 = arith.constant 0 : i32
    %dma_wait3A_116 = arith.constant 0 : i32
    %dma_wait3A_117 = tpu.memref_slice %arg4[%dma_wait3A, %dma_wait3A_115, %dma_wait3A_116] : memref<2x32x129xf32, #tpu.memory_space<vmem>> -> memref<1x32x129xf32, #tpu.memory_space<vmem>>
    %dma_wait3A_118 = tpu.memref_squeeze %dma_wait3A_117 : memref<1x32x129xf32, #tpu.memory_space<vmem>> -> memref<32x129xf32, #tpu.memory_space<vmem>>
    %dma_wait3A_119 = arith.constant 0 : i32
    %dma_wait3A_120 = arith.constant 0 : i32
    %dma_wait3A_121 = tpu.memref_slice %dma_wait3A_118[%dma_wait3A_119, %dma_wait3A_120] : memref<32x129xf32, #tpu.memory_space<vmem>> -> memref<32x128xf32, #tpu.memory_space<vmem>>
    %dma_wait3A_122 = arith.constant 0 : i32
    %dma_wait3A_123 = arith.constant 0 : i32
    %dma_wait3A_124 = tpu.memref_slice %arg2[%dma_wait3A_122, %dma_wait3A_123] : memref<32x1000000xf32, #tpu.memory_space<hbm>> -> memref<32x128xf32, #tpu.memory_space<hbm>>
    tpu.wait_dma2 semaphore(%arg6 : memref<!tpu.dma_semaphore, #tpu.memory_space<semaphore_mem>>) src(%dma_wait3A_124 : memref<32x128xf32, #tpu.memory_space<hbm>>) dst(%dma_wait3A_121 : memref<32x128xf32, #tpu.memory_space<vmem>>)
    %dma_wait3A_125 = arith.constant 0 : i32
    %dma_wait3A_126 = arith.constant 0 : i32
    %dma_wait3A_127 = arith.constant 0 : i32
    %dma_wait3A_128 = tpu.memref_slice %arg5[%dma_wait3A_125, %dma_wait3A_126, %dma_wait3A_127] : memref<2x32x128xf32, #tpu.memory_space<vmem>> -> memref<1x32x128xf32, #tpu.memory_space<vmem>>
    %dma_wait3A_129 = tpu.memref_squeeze %dma_wait3A_128 : memref<1x32x128xf32, #tpu.memory_space<vmem>> -> memref<32x128xf32, #tpu.memory_space<vmem>>
    %dma_wait3A_130 = arith.constant 0 : i32
    %dma_wait3A_131 = arith.constant 0 : i32
    %dma_wait3A_132 = tpu.memref_slice %arg3[%dma_wait3A_130, %dma_wait3A_131] : memref<250000x128xf32, #tpu.memory_space<hbm>> -> memref<32x128xf32, #tpu.memory_space<hbm>>
    %dma_wait3A_133 = arith.constant 0 : i32
    %dma_wait3A_134 = arith.constant 0 : i32
    %dma_wait3A_135 = tpu.memref_slice %arg5[%dma_wait3A_125, %dma_wait3A_133, %dma_wait3A_134] : memref<2x32x128xf32, #tpu.memory_space<vmem>> -> memref<1x32x128xf32, #tpu.memory_space<vmem>>
    %dma_wait3A_136 = tpu.memref_squeeze %dma_wait3A_135 : memref<1x32x128xf32, #tpu.memory_space<vmem>> -> memref<32x128xf32, #tpu.memory_space<vmem>>
    %dma_wait3A_137 = arith.constant 0 : i32
    %dma_wait3A_138 = arith.constant 0 : i32
    %dma_wait3A_139 = tpu.memref_slice %arg3[%dma_wait3A_137, %dma_wait3A_138] : memref<250000x128xf32, #tpu.memory_space<hbm>> -> memref<32x128xf32, #tpu.memory_space<hbm>>
    tpu.wait_dma2 semaphore(%arg8 : memref<!tpu.dma_semaphore, #tpu.memory_space<semaphore_mem>>) src(%dma_wait3A_139 : memref<32x128xf32, #tpu.memory_space<hbm>>) dst(%dma_wait3A_136 : memref<32x128xf32, #tpu.memory_space<vmem>>)
    %dma_wait3A_140 = arith.constant 1 : i32
    %dma_wait3A_141 = arith.constant 0 : i32
    %dma_wait3A_142 = arith.constant 0 : i32
    %dma_wait3A_143 = tpu.memref_slice %arg4[%dma_wait3A_140, %dma_wait3A_141, %dma_wait3A_142] : memref<2x32x129xf32, #tpu.memory_space<vmem>> -> memref<1x32x129xf32, #tpu.memory_space<vmem>>
    %dma_wait3A_144 = tpu.memref_squeeze %dma_wait3A_143 : memref<1x32x129xf32, #tpu.memory_space<vmem>> -> memref<32x129xf32, #tpu.memory_space<vmem>>
    %dma_wait3A_145 = arith.constant 0 : i32
    %dma_wait3A_146 = arith.constant 0 : i32
    %dma_wait3A_147 = tpu.memref_slice %dma_wait3A_144[%dma_wait3A_145, %dma_wait3A_146] : memref<32x129xf32, #tpu.memory_space<vmem>> -> memref<32x128xf32, #tpu.memory_space<vmem>>
    %dma_wait3A_148 = arith.constant 0 : i32
    %dma_wait3A_149 = arith.constant 0 : i32
    %dma_wait3A_150 = tpu.memref_slice %arg2[%dma_wait3A_148, %dma_wait3A_149] : memref<32x1000000xf32, #tpu.memory_space<hbm>> -> memref<32x128xf32, #tpu.memory_space<hbm>>
    %dma_wait3A_151 = arith.constant 0 : i32
    %dma_wait3A_152 = arith.constant 0 : i32
    %dma_wait3A_153 = tpu.memref_slice %arg4[%dma_wait3A_140, %dma_wait3A_151, %dma_wait3A_152] : memref<2x32x129xf32, #tpu.memory_space<vmem>> -> memref<1x32x129xf32, #tpu.memory_space<vmem>>
    %dma_wait3A_154 = tpu.memref_squeeze %dma_wait3A_153 : memref<1x32x129xf32, #tpu.memory_space<vmem>> -> memref<32x129xf32, #tpu.memory_space<vmem>>
    %dma_wait3A_155 = arith.constant 0 : i32
    %dma_wait3A_156 = arith.constant 0 : i32
    %dma_wait3A_157 = tpu.memref_slice %dma_wait3A_154[%dma_wait3A_155, %dma_wait3A_156] : memref<32x129xf32, #tpu.memory_space<vmem>> -> memref<32x128xf32, #tpu.memory_space<vmem>>
    %dma_wait3A_158 = arith.constant 0 : i32
    %dma_wait3A_159 = arith.constant 0 : i32
    %dma_wait3A_160 = tpu.memref_slice %arg2[%dma_wait3A_158, %dma_wait3A_159] : memref<32x1000000xf32, #tpu.memory_space<hbm>> -> memref<32x128xf32, #tpu.memory_space<hbm>>
    tpu.wait_dma2 semaphore(%arg7 : memref<!tpu.dma_semaphore, #tpu.memory_space<semaphore_mem>>) src(%dma_wait3A_160 : memref<32x128xf32, #tpu.memory_space<hbm>>) dst(%dma_wait3A_157 : memref<32x128xf32, #tpu.memory_space<vmem>>)
    %dma_wait3A_161 = arith.constant 1 : i32
    %dma_wait3A_162 = arith.constant 0 : i32
    %dma_wait3A_163 = arith.constant 0 : i32
    %dma_wait3A_164 = tpu.memref_slice %arg5[%dma_wait3A_161, %dma_wait3A_162, %dma_wait3A_163] : memref<2x32x128xf32, #tpu.memory_space<vmem>> -> memref<1x32x128xf32, #tpu.memory_space<vmem>>
    %dma_wait3A_165 = tpu.memref_squeeze %dma_wait3A_164 : memref<1x32x128xf32, #tpu.memory_space<vmem>> -> memref<32x128xf32, #tpu.memory_space<vmem>>
    %dma_wait3A_166 = arith.constant 0 : i32
    %dma_wait3A_167 = arith.constant 0 : i32
    %dma_wait3A_168 = tpu.memref_slice %arg3[%dma_wait3A_166, %dma_wait3A_167] : memref<250000x128xf32, #tpu.memory_space<hbm>> -> memref<32x128xf32, #tpu.memory_space<hbm>>
    %dma_wait3A_169 = arith.constant 0 : i32
    %dma_wait3A_170 = arith.constant 0 : i32
    %dma_wait3A_171 = tpu.memref_slice %arg5[%dma_wait3A_161, %dma_wait3A_169, %dma_wait3A_170] : memref<2x32x128xf32, #tpu.memory_space<vmem>> -> memref<1x32x128xf32, #tpu.memory_space<vmem>>
    %dma_wait3A_172 = tpu.memref_squeeze %dma_wait3A_171 : memref<1x32x128xf32, #tpu.memory_space<vmem>> -> memref<32x128xf32, #tpu.memory_space<vmem>>
    %dma_wait3A_173 = arith.constant 0 : i32
    %dma_wait3A_174 = arith.constant 0 : i32
    %dma_wait3A_175 = tpu.memref_slice %arg3[%dma_wait3A_173, %dma_wait3A_174] : memref<250000x128xf32, #tpu.memory_space<hbm>> -> memref<32x128xf32, #tpu.memory_space<hbm>>
    tpu.wait_dma2 semaphore(%arg9 : memref<!tpu.dma_semaphore, #tpu.memory_space<semaphore_mem>>) src(%dma_wait3A_175 : memref<32x128xf32, #tpu.memory_space<hbm>>) dst(%dma_wait3A_172 : memref<32x128xf32, #tpu.memory_space<vmem>>)
    return
  }
}

#map = affine_map<(d0, d1) -> (0)>
#map1 = affine_map<(d0, d1) -> (0, 0)>
#map2 = affine_map<(d0, d1) -> (0, 0, 0)>
module attributes {stable_mosaic.version = 14 : i64} {
  func.func @body(%arg0: i32, %arg1: i32, %arg2: memref<3276800xi32, #tpu.memory_space<hbm>>, %arg3: memref<1000000x32xf32, #tpu.memory_space<hbm>>, %arg4: memref<200x32x16384xf32, #tpu.memory_space<hbm>>, %arg5: memref<2x512xi32, #tpu.memory_space<vmem>>, %arg6: memref<2x512x32xf32, #tpu.memory_space<vmem>>, %arg7: memref<2x32x528xf32, #tpu.memory_space<vmem>>, %arg8: memref<!tpu.dma_semaphore, #tpu.memory_space<semaphore_mem>>, %arg9: memref<!tpu.dma_semaphore, #tpu.memory_space<semaphore_mem>>, %arg10: memref<!tpu.dma_semaphore, #tpu.memory_space<semaphore_mem>>, %arg11: memref<!tpu.dma_semaphore, #tpu.memory_space<semaphore_mem>>) attributes {dimension_semantics = [#tpu.dimension_semantics<core_parallel>, #tpu.dimension_semantics<subcore_parallel>], iteration_bounds = array<i64: 2, 16>, scalar_prefetch = 0 : i64, scratch_operands = 7 : i64, tpu.core_type = #tpu.core_type<sc_vector_subcore>, window_params = [{transform_indices = #map}, {transform_indices = #map1}, {transform_indices = #map2}]} {
    %mul3A = arith.constant 2 : i32
    %mul3A_0 = arith.muli %arg1, %mul3A : i32
    %add3A = arith.addi %mul3A_0, %arg0 : i32
    %mul3A_1 = arith.constant 512 : i32
    %mul3A_2 = arith.muli %add3A, %mul3A_1 : i32
    %iota3A = tpu.iota {dimensions = array<i32: 0>} : vector<16xi32>
    %dma_start3A = arith.constant 0 : i32
    %dma_start3A_3 = arith.constant 0 : i32
    %dma_start3A_4 = arith.constant 0 : i32
    %dma_start3A_5 = arith.constant 0 : i32
    %dma_start3A_6 = tpu.memref_slice %arg7[%dma_start3A, %dma_start3A_4, %dma_start3A_5] : memref<2x32x528xf32, #tpu.memory_space<vmem>> -> memref<1x32x528xf32, #tpu.memory_space<vmem>>
    %dma_start3A_7 = tpu.memref_squeeze %dma_start3A_6 : memref<1x32x528xf32, #tpu.memory_space<vmem>> -> memref<32x528xf32, #tpu.memory_space<vmem>>
    %dma_start3A_8 = arith.constant 0 : i32
    %dma_start3A_9 = arith.constant 0 : i32
    %dma_start3A_10 = tpu.memref_slice %dma_start3A_7[%dma_start3A_8, %dma_start3A_9] : memref<32x528xf32, #tpu.memory_space<vmem>> -> memref<32x512xf32, #tpu.memory_space<vmem>>
    %dma_start3A_11 = arith.constant 0 : i32
    %dma_start3A_12 = tpu.memref_slice %arg4[%dma_start3A_3, %dma_start3A_11, %mul3A_2] : memref<200x32x16384xf32, #tpu.memory_space<hbm>> -> memref<1x32x512xf32, #tpu.memory_space<hbm>>
    %dma_start3A_13 = tpu.memref_squeeze %dma_start3A_12 : memref<1x32x512xf32, #tpu.memory_space<hbm>> -> memref<32x512xf32, #tpu.memory_space<hbm>>
    %dma_start3A_14 = arith.constant 0 : i32
    %dma_start3A_15 = tpu.memref_slice %arg4[%dma_start3A_3, %dma_start3A_14, %mul3A_2] : memref<200x32x16384xf32, #tpu.memory_space<hbm>> -> memref<1x32x512xf32, #tpu.memory_space<hbm>>
    %dma_start3A_16 = tpu.memref_squeeze %dma_start3A_15 : memref<1x32x512xf32, #tpu.memory_space<hbm>> -> memref<32x512xf32, #tpu.memory_space<hbm>>
    %dma_start3A_17 = arith.constant 0 : i32
    %dma_start3A_18 = arith.constant 0 : i32
    %dma_start3A_19 = tpu.memref_slice %arg7[%dma_start3A, %dma_start3A_17, %dma_start3A_18] : memref<2x32x528xf32, #tpu.memory_space<vmem>> -> memref<1x32x528xf32, #tpu.memory_space<vmem>>
    %dma_start3A_20 = tpu.memref_squeeze %dma_start3A_19 : memref<1x32x528xf32, #tpu.memory_space<vmem>> -> memref<32x528xf32, #tpu.memory_space<vmem>>
    %dma_start3A_21 = arith.constant 0 : i32
    %dma_start3A_22 = arith.constant 0 : i32
    %dma_start3A_23 = tpu.memref_slice %dma_start3A_20[%dma_start3A_21, %dma_start3A_22] : memref<32x528xf32, #tpu.memory_space<vmem>> -> memref<32x512xf32, #tpu.memory_space<vmem>>
    tpu.enqueue_dma source(%dma_start3A_23 : memref<32x512xf32, #tpu.memory_space<vmem>>) target(%dma_start3A_16 : memref<32x512xf32, #tpu.memory_space<hbm>>) target_semaphore(%arg10 : memref<!tpu.dma_semaphore, #tpu.memory_space<semaphore_mem>>)
    %dma_start3A_24 = arith.constant 1 : i32
    %dma_start3A_25 = arith.constant 1 : i32
    %dma_start3A_26 = arith.constant 0 : i32
    %dma_start3A_27 = arith.constant 0 : i32
    %dma_start3A_28 = tpu.memref_slice %arg7[%dma_start3A_24, %dma_start3A_26, %dma_start3A_27] : memref<2x32x528xf32, #tpu.memory_space<vmem>> -> memref<1x32x528xf32, #tpu.memory_space<vmem>>
    %dma_start3A_29 = tpu.memref_squeeze %dma_start3A_28 : memref<1x32x528xf32, #tpu.memory_space<vmem>> -> memref<32x528xf32, #tpu.memory_space<vmem>>
    %dma_start3A_30 = arith.constant 0 : i32
    %dma_start3A_31 = arith.constant 0 : i32
    %dma_start3A_32 = tpu.memref_slice %dma_start3A_29[%dma_start3A_30, %dma_start3A_31] : memref<32x528xf32, #tpu.memory_space<vmem>> -> memref<32x512xf32, #tpu.memory_space<vmem>>
    %dma_start3A_33 = arith.constant 0 : i32
    %dma_start3A_34 = tpu.memref_slice %arg4[%dma_start3A_25, %dma_start3A_33, %mul3A_2] : memref<200x32x16384xf32, #tpu.memory_space<hbm>> -> memref<1x32x512xf32, #tpu.memory_space<hbm>>
    %dma_start3A_35 = tpu.memref_squeeze %dma_start3A_34 : memref<1x32x512xf32, #tpu.memory_space<hbm>> -> memref<32x512xf32, #tpu.memory_space<hbm>>
    %dma_start3A_36 = arith.constant 0 : i32
    %dma_start3A_37 = tpu.memref_slice %arg4[%dma_start3A_25, %dma_start3A_36, %mul3A_2] : memref<200x32x16384xf32, #tpu.memory_space<hbm>> -> memref<1x32x512xf32, #tpu.memory_space<hbm>>
    %dma_start3A_38 = tpu.memref_squeeze %dma_start3A_37 : memref<1x32x512xf32, #tpu.memory_space<hbm>> -> memref<32x512xf32, #tpu.memory_space<hbm>>
    %dma_start3A_39 = arith.constant 0 : i32
    %dma_start3A_40 = arith.constant 0 : i32
    %dma_start3A_41 = tpu.memref_slice %arg7[%dma_start3A_24, %dma_start3A_39, %dma_start3A_40] : memref<2x32x528xf32, #tpu.memory_space<vmem>> -> memref<1x32x528xf32, #tpu.memory_space<vmem>>
    %dma_start3A_42 = tpu.memref_squeeze %dma_start3A_41 : memref<1x32x528xf32, #tpu.memory_space<vmem>> -> memref<32x528xf32, #tpu.memory_space<vmem>>
    %dma_start3A_43 = arith.constant 0 : i32
    %dma_start3A_44 = arith.constant 0 : i32
    %dma_start3A_45 = tpu.memref_slice %dma_start3A_42[%dma_start3A_43, %dma_start3A_44] : memref<32x528xf32, #tpu.memory_space<vmem>> -> memref<32x512xf32, #tpu.memory_space<vmem>>
    tpu.enqueue_dma source(%dma_start3A_45 : memref<32x512xf32, #tpu.memory_space<vmem>>) target(%dma_start3A_38 : memref<32x512xf32, #tpu.memory_space<hbm>>) target_semaphore(%arg11 : memref<!tpu.dma_semaphore, #tpu.memory_space<semaphore_mem>>)
    %add3A_46 = arith.constant 0 : i32
    %add3A_47 = arith.addi %add3A_46, %mul3A_2 : i32
    %run_scoped3A = arith.constant 0 : i32
    "tpu.region"() ({
      %run_scoped3A_183 = tpu.sem_alloc : memref<!tpu.dma_semaphore, #tpu.memory_space<semaphore_mem>>
      %dma_start3A_184 = arith.constant 0 : i32
      %dma_start3A_185 = tpu.memref_slice %arg5[%run_scoped3A, %dma_start3A_184] : memref<2x512xi32, #tpu.memory_space<vmem>> -> memref<1x512xi32, #tpu.memory_space<vmem>>
      %dma_start3A_186 = tpu.memref_squeeze %dma_start3A_185 : memref<1x512xi32, #tpu.memory_space<vmem>> -> memref<512xi32, #tpu.memory_space<vmem>>
      %dma_start3A_187 = tpu.memref_slice %arg2[%add3A_47] : memref<3276800xi32, #tpu.memory_space<hbm>> -> memref<512xi32, #tpu.memory_space<hbm>>
      %dma_start3A_188 = arith.constant 0 : i32
      %dma_start3A_189 = tpu.memref_slice %arg5[%run_scoped3A, %dma_start3A_188] : memref<2x512xi32, #tpu.memory_space<vmem>> -> memref<1x512xi32, #tpu.memory_space<vmem>>
      %dma_start3A_190 = tpu.memref_squeeze %dma_start3A_189 : memref<1x512xi32, #tpu.memory_space<vmem>> -> memref<512xi32, #tpu.memory_space<vmem>>
      %dma_start3A_191 = tpu.memref_slice %arg2[%add3A_47] : memref<3276800xi32, #tpu.memory_space<hbm>> -> memref<512xi32, #tpu.memory_space<hbm>>
      tpu.enqueue_dma source(%dma_start3A_191 : memref<512xi32, #tpu.memory_space<hbm>>) target(%dma_start3A_190 : memref<512xi32, #tpu.memory_space<vmem>>) target_semaphore(%run_scoped3A_183 : memref<!tpu.dma_semaphore, #tpu.memory_space<semaphore_mem>>)
      %dma_wait3A_192 = arith.constant 0 : i32
      %dma_wait3A_193 = tpu.memref_slice %arg5[%run_scoped3A, %dma_wait3A_192] : memref<2x512xi32, #tpu.memory_space<vmem>> -> memref<1x512xi32, #tpu.memory_space<vmem>>
      %dma_wait3A_194 = tpu.memref_squeeze %dma_wait3A_193 : memref<1x512xi32, #tpu.memory_space<vmem>> -> memref<512xi32, #tpu.memory_space<vmem>>
      %dma_wait3A_195 = tpu.memref_slice %arg2[%add3A_47] : memref<3276800xi32, #tpu.memory_space<hbm>> -> memref<512xi32, #tpu.memory_space<hbm>>
      %dma_wait3A_196 = arith.constant 0 : i32
      %dma_wait3A_197 = tpu.memref_slice %arg5[%run_scoped3A, %dma_wait3A_196] : memref<2x512xi32, #tpu.memory_space<vmem>> -> memref<1x512xi32, #tpu.memory_space<vmem>>
      %dma_wait3A_198 = tpu.memref_squeeze %dma_wait3A_197 : memref<1x512xi32, #tpu.memory_space<vmem>> -> memref<512xi32, #tpu.memory_space<vmem>>
      %dma_wait3A_199 = tpu.memref_slice %arg2[%add3A_47] : memref<3276800xi32, #tpu.memory_space<hbm>> -> memref<512xi32, #tpu.memory_space<hbm>>
      tpu.wait_dma2 semaphore(%run_scoped3A_183 : memref<!tpu.dma_semaphore, #tpu.memory_space<semaphore_mem>>) src(%dma_wait3A_199 : memref<512xi32, #tpu.memory_space<hbm>>) dst(%dma_wait3A_198 : memref<512xi32, #tpu.memory_space<vmem>>)
      tpu.yield
    }) : () -> ()
    %dma_start3A_48 = arith.constant 0 : i32
    %dma_start3A_49 = arith.constant 0 : i32
    %dma_start3A_50 = arith.constant 0 : i32
    %dma_start3A_51 = arith.constant 0 : i32
    %dma_start3A_52 = tpu.memref_slice %arg6[%dma_start3A_49, %dma_start3A_50, %dma_start3A_51] : memref<2x512x32xf32, #tpu.memory_space<vmem>> -> memref<1x512x32xf32, #tpu.memory_space<vmem>>
    %dma_start3A_53 = tpu.memref_squeeze %dma_start3A_52 : memref<1x512x32xf32, #tpu.memory_space<vmem>> -> memref<512x32xf32, #tpu.memory_space<vmem>>
    %dma_start3A_54 = arith.constant 0 : i32
    %dma_start3A_55 = arith.constant 0 : i32
    %dma_start3A_56 = tpu.memref_slice %dma_start3A_53[%dma_start3A_54, %dma_start3A_55] : memref<512x32xf32, #tpu.memory_space<vmem>> -> memref<128x32xf32, #tpu.memory_space<vmem>>
    %dma_start3A_57 = arith.constant 0 : i32
    %dma_start3A_58 = tpu.memref_slice %arg5[%dma_start3A_48, %dma_start3A_57] : memref<2x512xi32, #tpu.memory_space<vmem>> -> memref<1x512xi32, #tpu.memory_space<vmem>>
    %dma_start3A_59 = tpu.memref_squeeze %dma_start3A_58 : memref<1x512xi32, #tpu.memory_space<vmem>> -> memref<512xi32, #tpu.memory_space<vmem>>
    %dma_start3A_60 = arith.constant 0 : i32
    %dma_start3A_61 = tpu.memref_slice %dma_start3A_59[%dma_start3A_60] : memref<512xi32, #tpu.memory_space<vmem>> -> memref<128xi32, #tpu.memory_space<vmem>>
    %dma_start3A_62 = arith.constant 0 : i32
    %dma_start3A_63 = arith.constant 0 : i32
    %dma_start3A_64 = tpu.memref_slice %arg3[%dma_start3A_62, %dma_start3A_63] : memref<1000000x32xf32, #tpu.memory_space<hbm>> -> memref<1000000x32xf32, #tpu.memory_space<hbm>>
    tpu.enqueue_indirect_dma source(%dma_start3A_64 : memref<1000000x32xf32, #tpu.memory_space<hbm>>) target(%dma_start3A_56 : memref<128x32xf32, #tpu.memory_space<vmem>>) offsets(%dma_start3A_61 : memref<128xi32, #tpu.memory_space<vmem>>) semaphore(%arg8 : memref<!tpu.dma_semaphore, #tpu.memory_space<semaphore_mem>>)
    %dma_start3A_65 = arith.constant 0 : i32
    %dma_start3A_66 = arith.constant 0 : i32
    %dma_start3A_67 = arith.constant 0 : i32
    %dma_start3A_68 = arith.constant 0 : i32
    %dma_start3A_69 = tpu.memref_slice %arg6[%dma_start3A_66, %dma_start3A_67, %dma_start3A_68] : memref<2x512x32xf32, #tpu.memory_space<vmem>> -> memref<1x512x32xf32, #tpu.memory_space<vmem>>
    %dma_start3A_70 = tpu.memref_squeeze %dma_start3A_69 : memref<1x512x32xf32, #tpu.memory_space<vmem>> -> memref<512x32xf32, #tpu.memory_space<vmem>>
    %dma_start3A_71 = arith.constant 128 : i32
    %dma_start3A_72 = arith.constant 0 : i32
    %dma_start3A_73 = tpu.memref_slice %dma_start3A_70[%dma_start3A_71, %dma_start3A_72] : memref<512x32xf32, #tpu.memory_space<vmem>> -> memref<128x32xf32, #tpu.memory_space<vmem>>
    %dma_start3A_74 = arith.constant 0 : i32
    %dma_start3A_75 = tpu.memref_slice %arg5[%dma_start3A_65, %dma_start3A_74] : memref<2x512xi32, #tpu.memory_space<vmem>> -> memref<1x512xi32, #tpu.memory_space<vmem>>
    %dma_start3A_76 = tpu.memref_squeeze %dma_start3A_75 : memref<1x512xi32, #tpu.memory_space<vmem>> -> memref<512xi32, #tpu.memory_space<vmem>>
    %dma_start3A_77 = arith.constant 128 : i32
    %dma_start3A_78 = tpu.memref_slice %dma_start3A_76[%dma_start3A_77] : memref<512xi32, #tpu.memory_space<vmem>> -> memref<128xi32, #tpu.memory_space<vmem>>
    %dma_start3A_79 = arith.constant 0 : i32
    %dma_start3A_80 = arith.constant 0 : i32
    %dma_start3A_81 = tpu.memref_slice %arg3[%dma_start3A_79, %dma_start3A_80] : memref<1000000x32xf32, #tpu.memory_space<hbm>> -> memref<1000000x32xf32, #tpu.memory_space<hbm>>
    tpu.enqueue_indirect_dma source(%dma_start3A_81 : memref<1000000x32xf32, #tpu.memory_space<hbm>>) target(%dma_start3A_73 : memref<128x32xf32, #tpu.memory_space<vmem>>) offsets(%dma_start3A_78 : memref<128xi32, #tpu.memory_space<vmem>>) semaphore(%arg8 : memref<!tpu.dma_semaphore, #tpu.memory_space<semaphore_mem>>)
    %dma_start3A_82 = arith.constant 0 : i32
    %dma_start3A_83 = arith.constant 0 : i32
    %dma_start3A_84 = arith.constant 0 : i32
    %dma_start3A_85 = arith.constant 0 : i32
    %dma_start3A_86 = tpu.memref_slice %arg6[%dma_start3A_83, %dma_start3A_84, %dma_start3A_85] : memref<2x512x32xf32, #tpu.memory_space<vmem>> -> memref<1x512x32xf32, #tpu.memory_space<vmem>>
    %dma_start3A_87 = tpu.memref_squeeze %dma_start3A_86 : memref<1x512x32xf32, #tpu.memory_space<vmem>> -> memref<512x32xf32, #tpu.memory_space<vmem>>
    %dma_start3A_88 = arith.constant 256 : i32
    %dma_start3A_89 = arith.constant 0 : i32
    %dma_start3A_90 = tpu.memref_slice %dma_start3A_87[%dma_start3A_88, %dma_start3A_89] : memref<512x32xf32, #tpu.memory_space<vmem>> -> memref<128x32xf32, #tpu.memory_space<vmem>>
    %dma_start3A_91 = arith.constant 0 : i32
    %dma_start3A_92 = tpu.memref_slice %arg5[%dma_start3A_82, %dma_start3A_91] : memref<2x512xi32, #tpu.memory_space<vmem>> -> memref<1x512xi32, #tpu.memory_space<vmem>>
    %dma_start3A_93 = tpu.memref_squeeze %dma_start3A_92 : memref<1x512xi32, #tpu.memory_space<vmem>> -> memref<512xi32, #tpu.memory_space<vmem>>
    %dma_start3A_94 = arith.constant 256 : i32
    %dma_start3A_95 = tpu.memref_slice %dma_start3A_93[%dma_start3A_94] : memref<512xi32, #tpu.memory_space<vmem>> -> memref<128xi32, #tpu.memory_space<vmem>>
    %dma_start3A_96 = arith.constant 0 : i32
    %dma_start3A_97 = arith.constant 0 : i32
    %dma_start3A_98 = tpu.memref_slice %arg3[%dma_start3A_96, %dma_start3A_97] : memref<1000000x32xf32, #tpu.memory_space<hbm>> -> memref<1000000x32xf32, #tpu.memory_space<hbm>>
    tpu.enqueue_indirect_dma source(%dma_start3A_98 : memref<1000000x32xf32, #tpu.memory_space<hbm>>) target(%dma_start3A_90 : memref<128x32xf32, #tpu.memory_space<vmem>>) offsets(%dma_start3A_95 : memref<128xi32, #tpu.memory_space<vmem>>) semaphore(%arg8 : memref<!tpu.dma_semaphore, #tpu.memory_space<semaphore_mem>>)
    %dma_start3A_99 = arith.constant 0 : i32
    %dma_start3A_100 = arith.constant 0 : i32
    %dma_start3A_101 = arith.constant 0 : i32
    %dma_start3A_102 = arith.constant 0 : i32
    %dma_start3A_103 = tpu.memref_slice %arg6[%dma_start3A_100, %dma_start3A_101, %dma_start3A_102] : memref<2x512x32xf32, #tpu.memory_space<vmem>> -> memref<1x512x32xf32, #tpu.memory_space<vmem>>
    %dma_start3A_104 = tpu.memref_squeeze %dma_start3A_103 : memref<1x512x32xf32, #tpu.memory_space<vmem>> -> memref<512x32xf32, #tpu.memory_space<vmem>>
    %dma_start3A_105 = arith.constant 384 : i32
    %dma_start3A_106 = arith.constant 0 : i32
    %dma_start3A_107 = tpu.memref_slice %dma_start3A_104[%dma_start3A_105, %dma_start3A_106] : memref<512x32xf32, #tpu.memory_space<vmem>> -> memref<128x32xf32, #tpu.memory_space<vmem>>
    %dma_start3A_108 = arith.constant 0 : i32
    %dma_start3A_109 = tpu.memref_slice %arg5[%dma_start3A_99, %dma_start3A_108] : memref<2x512xi32, #tpu.memory_space<vmem>> -> memref<1x512xi32, #tpu.memory_space<vmem>>
    %dma_start3A_110 = tpu.memref_squeeze %dma_start3A_109 : memref<1x512xi32, #tpu.memory_space<vmem>> -> memref<512xi32, #tpu.memory_space<vmem>>
    %dma_start3A_111 = arith.constant 384 : i32
    %dma_start3A_112 = tpu.memref_slice %dma_start3A_110[%dma_start3A_111] : memref<512xi32, #tpu.memory_space<vmem>> -> memref<128xi32, #tpu.memory_space<vmem>>
    %dma_start3A_113 = arith.constant 0 : i32
    %dma_start3A_114 = arith.constant 0 : i32
    %dma_start3A_115 = tpu.memref_slice %arg3[%dma_start3A_113, %dma_start3A_114] : memref<1000000x32xf32, #tpu.memory_space<hbm>> -> memref<1000000x32xf32, #tpu.memory_space<hbm>>
    tpu.enqueue_indirect_dma source(%dma_start3A_115 : memref<1000000x32xf32, #tpu.memory_space<hbm>>) target(%dma_start3A_107 : memref<128x32xf32, #tpu.memory_space<vmem>>) offsets(%dma_start3A_112 : memref<128xi32, #tpu.memory_space<vmem>>) semaphore(%arg8 : memref<!tpu.dma_semaphore, #tpu.memory_space<semaphore_mem>>)
    %scan3A = arith.constant 0 : i32
    %scan3A_116 = arith.constant 0 : i32
    %scan3A_117 = arith.constant 100 : i32
    %scan3A_118 = arith.addi %scan3A_116, %scan3A_117 : i32
    %scan3A_119 = arith.constant 1 : i32
    scf.for %scan3A_183 = %scan3A_116 to %scan3A_118 step %scan3A_119  : i32 {
      %mul3A_184 = arith.constant 2 : i32
      %mul3A_185 = arith.muli %mul3A_184, %scan3A_183 : i32
      %add3A_186 = arith.constant 1 : i32
      %add3A_187 = arith.addi %mul3A_185, %add3A_186 : i32
      %add3A_188 = arith.constant 0 : i32
      %add3A_189 = arith.addi %add3A_187, %add3A_188 : i32
      %lt3A = arith.constant 200 : i32
      %lt3A_190 = arith.cmpi slt, %add3A_189, %lt3A : i32
      %select_n3A = arith.constant 199 : i32
      %select_n3A_191 = arith.select %lt3A_190, %add3A_189, %select_n3A : i32
      %mul3A_192 = arith.constant 16384 : i32
      %mul3A_193 = arith.muli %select_n3A_191, %mul3A_192 : i32
      %add3A_194 = arith.addi %mul3A_193, %mul3A_2 : i32
      %run_scoped3A_195 = arith.constant 1 : i32
      "tpu.region"() ({
        %run_scoped3A_490 = tpu.sem_alloc : memref<!tpu.dma_semaphore, #tpu.memory_space<semaphore_mem>>
        %dma_start3A_491 = arith.constant 0 : i32
        %dma_start3A_492 = tpu.memref_slice %arg5[%run_scoped3A_195, %dma_start3A_491] : memref<2x512xi32, #tpu.memory_space<vmem>> -> memref<1x512xi32, #tpu.memory_space<vmem>>
        %dma_start3A_493 = tpu.memref_squeeze %dma_start3A_492 : memref<1x512xi32, #tpu.memory_space<vmem>> -> memref<512xi32, #tpu.memory_space<vmem>>
        %dma_start3A_494 = tpu.memref_slice %arg2[%add3A_194] : memref<3276800xi32, #tpu.memory_space<hbm>> -> memref<512xi32, #tpu.memory_space<hbm>>
        %dma_start3A_495 = arith.constant 0 : i32
        %dma_start3A_496 = tpu.memref_slice %arg5[%run_scoped3A_195, %dma_start3A_495] : memref<2x512xi32, #tpu.memory_space<vmem>> -> memref<1x512xi32, #tpu.memory_space<vmem>>
        %dma_start3A_497 = tpu.memref_squeeze %dma_start3A_496 : memref<1x512xi32, #tpu.memory_space<vmem>> -> memref<512xi32, #tpu.memory_space<vmem>>
        %dma_start3A_498 = tpu.memref_slice %arg2[%add3A_194] : memref<3276800xi32, #tpu.memory_space<hbm>> -> memref<512xi32, #tpu.memory_space<hbm>>
        tpu.enqueue_dma source(%dma_start3A_498 : memref<512xi32, #tpu.memory_space<hbm>>) target(%dma_start3A_497 : memref<512xi32, #tpu.memory_space<vmem>>) target_semaphore(%run_scoped3A_490 : memref<!tpu.dma_semaphore, #tpu.memory_space<semaphore_mem>>)
        %dma_wait3A_499 = arith.constant 0 : i32
        %dma_wait3A_500 = tpu.memref_slice %arg5[%run_scoped3A_195, %dma_wait3A_499] : memref<2x512xi32, #tpu.memory_space<vmem>> -> memref<1x512xi32, #tpu.memory_space<vmem>>
        %dma_wait3A_501 = tpu.memref_squeeze %dma_wait3A_500 : memref<1x512xi32, #tpu.memory_space<vmem>> -> memref<512xi32, #tpu.memory_space<vmem>>
        %dma_wait3A_502 = tpu.memref_slice %arg2[%add3A_194] : memref<3276800xi32, #tpu.memory_space<hbm>> -> memref<512xi32, #tpu.memory_space<hbm>>
        %dma_wait3A_503 = arith.constant 0 : i32
        %dma_wait3A_504 = tpu.memref_slice %arg5[%run_scoped3A_195, %dma_wait3A_503] : memref<2x512xi32, #tpu.memory_space<vmem>> -> memref<1x512xi32, #tpu.memory_space<vmem>>
        %dma_wait3A_505 = tpu.memref_squeeze %dma_wait3A_504 : memref<1x512xi32, #tpu.memory_space<vmem>> -> memref<512xi32, #tpu.memory_space<vmem>>
        %dma_wait3A_506 = tpu.memref_slice %arg2[%add3A_194] : memref<3276800xi32, #tpu.memory_space<hbm>> -> memref<512xi32, #tpu.memory_space<hbm>>
        tpu.wait_dma2 semaphore(%run_scoped3A_490 : memref<!tpu.dma_semaphore, #tpu.memory_space<semaphore_mem>>) src(%dma_wait3A_506 : memref<512xi32, #tpu.memory_space<hbm>>) dst(%dma_wait3A_505 : memref<512xi32, #tpu.memory_space<vmem>>)
        tpu.yield
      }) : () -> ()
      %dma_start3A_196 = arith.constant 1 : i32
      %dma_start3A_197 = arith.constant 1 : i32
      %dma_start3A_198 = arith.constant 0 : i32
      %dma_start3A_199 = arith.constant 0 : i32
      %dma_start3A_200 = tpu.memref_slice %arg6[%dma_start3A_197, %dma_start3A_198, %dma_start3A_199] : memref<2x512x32xf32, #tpu.memory_space<vmem>> -> memref<1x512x32xf32, #tpu.memory_space<vmem>>
      %dma_start3A_201 = tpu.memref_squeeze %dma_start3A_200 : memref<1x512x32xf32, #tpu.memory_space<vmem>> -> memref<512x32xf32, #tpu.memory_space<vmem>>
      %dma_start3A_202 = arith.constant 0 : i32
      %dma_start3A_203 = arith.constant 0 : i32
      %dma_start3A_204 = tpu.memref_slice %dma_start3A_201[%dma_start3A_202, %dma_start3A_203] : memref<512x32xf32, #tpu.memory_space<vmem>> -> memref<128x32xf32, #tpu.memory_space<vmem>>
      %dma_start3A_205 = arith.constant 0 : i32
      %dma_start3A_206 = tpu.memref_slice %arg5[%dma_start3A_196, %dma_start3A_205] : memref<2x512xi32, #tpu.memory_space<vmem>> -> memref<1x512xi32, #tpu.memory_space<vmem>>
      %dma_start3A_207 = tpu.memref_squeeze %dma_start3A_206 : memref<1x512xi32, #tpu.memory_space<vmem>> -> memref<512xi32, #tpu.memory_space<vmem>>
      %dma_start3A_208 = arith.constant 0 : i32
      %dma_start3A_209 = tpu.memref_slice %dma_start3A_207[%dma_start3A_208] : memref<512xi32, #tpu.memory_space<vmem>> -> memref<128xi32, #tpu.memory_space<vmem>>
      %dma_start3A_210 = arith.constant 0 : i32
      %dma_start3A_211 = arith.constant 0 : i32
      %dma_start3A_212 = tpu.memref_slice %arg3[%dma_start3A_210, %dma_start3A_211] : memref<1000000x32xf32, #tpu.memory_space<hbm>> -> memref<1000000x32xf32, #tpu.memory_space<hbm>>
      tpu.enqueue_indirect_dma source(%dma_start3A_212 : memref<1000000x32xf32, #tpu.memory_space<hbm>>) target(%dma_start3A_204 : memref<128x32xf32, #tpu.memory_space<vmem>>) offsets(%dma_start3A_209 : memref<128xi32, #tpu.memory_space<vmem>>) semaphore(%arg9 : memref<!tpu.dma_semaphore, #tpu.memory_space<semaphore_mem>>)
      %dma_start3A_213 = arith.constant 1 : i32
      %dma_start3A_214 = arith.constant 1 : i32
      %dma_start3A_215 = arith.constant 0 : i32
      %dma_start3A_216 = arith.constant 0 : i32
      %dma_start3A_217 = tpu.memref_slice %arg6[%dma_start3A_214, %dma_start3A_215, %dma_start3A_216] : memref<2x512x32xf32, #tpu.memory_space<vmem>> -> memref<1x512x32xf32, #tpu.memory_space<vmem>>
      %dma_start3A_218 = tpu.memref_squeeze %dma_start3A_217 : memref<1x512x32xf32, #tpu.memory_space<vmem>> -> memref<512x32xf32, #tpu.memory_space<vmem>>
      %dma_start3A_219 = arith.constant 128 : i32
      %dma_start3A_220 = arith.constant 0 : i32
      %dma_start3A_221 = tpu.memref_slice %dma_start3A_218[%dma_start3A_219, %dma_start3A_220] : memref<512x32xf32, #tpu.memory_space<vmem>> -> memref<128x32xf32, #tpu.memory_space<vmem>>
      %dma_start3A_222 = arith.constant 0 : i32
      %dma_start3A_223 = tpu.memref_slice %arg5[%dma_start3A_213, %dma_start3A_222] : memref<2x512xi32, #tpu.memory_space<vmem>> -> memref<1x512xi32, #tpu.memory_space<vmem>>
      %dma_start3A_224 = tpu.memref_squeeze %dma_start3A_223 : memref<1x512xi32, #tpu.memory_space<vmem>> -> memref<512xi32, #tpu.memory_space<vmem>>
      %dma_start3A_225 = arith.constant 128 : i32
      %dma_start3A_226 = tpu.memref_slice %dma_start3A_224[%dma_start3A_225] : memref<512xi32, #tpu.memory_space<vmem>> -> memref<128xi32, #tpu.memory_space<vmem>>
      %dma_start3A_227 = arith.constant 0 : i32
      %dma_start3A_228 = arith.constant 0 : i32
      %dma_start3A_229 = tpu.memref_slice %arg3[%dma_start3A_227, %dma_start3A_228] : memref<1000000x32xf32, #tpu.memory_space<hbm>> -> memref<1000000x32xf32, #tpu.memory_space<hbm>>
      tpu.enqueue_indirect_dma source(%dma_start3A_229 : memref<1000000x32xf32, #tpu.memory_space<hbm>>) target(%dma_start3A_221 : memref<128x32xf32, #tpu.memory_space<vmem>>) offsets(%dma_start3A_226 : memref<128xi32, #tpu.memory_space<vmem>>) semaphore(%arg9 : memref<!tpu.dma_semaphore, #tpu.memory_space<semaphore_mem>>)
      %dma_start3A_230 = arith.constant 1 : i32
      %dma_start3A_231 = arith.constant 1 : i32
      %dma_start3A_232 = arith.constant 0 : i32
      %dma_start3A_233 = arith.constant 0 : i32
      %dma_start3A_234 = tpu.memref_slice %arg6[%dma_start3A_231, %dma_start3A_232, %dma_start3A_233] : memref<2x512x32xf32, #tpu.memory_space<vmem>> -> memref<1x512x32xf32, #tpu.memory_space<vmem>>
      %dma_start3A_235 = tpu.memref_squeeze %dma_start3A_234 : memref<1x512x32xf32, #tpu.memory_space<vmem>> -> memref<512x32xf32, #tpu.memory_space<vmem>>
      %dma_start3A_236 = arith.constant 256 : i32
      %dma_start3A_237 = arith.constant 0 : i32
      %dma_start3A_238 = tpu.memref_slice %dma_start3A_235[%dma_start3A_236, %dma_start3A_237] : memref<512x32xf32, #tpu.memory_space<vmem>> -> memref<128x32xf32, #tpu.memory_space<vmem>>
      %dma_start3A_239 = arith.constant 0 : i32
      %dma_start3A_240 = tpu.memref_slice %arg5[%dma_start3A_230, %dma_start3A_239] : memref<2x512xi32, #tpu.memory_space<vmem>> -> memref<1x512xi32, #tpu.memory_space<vmem>>
      %dma_start3A_241 = tpu.memref_squeeze %dma_start3A_240 : memref<1x512xi32, #tpu.memory_space<vmem>> -> memref<512xi32, #tpu.memory_space<vmem>>
      %dma_start3A_242 = arith.constant 256 : i32
      %dma_start3A_243 = tpu.memref_slice %dma_start3A_241[%dma_start3A_242] : memref<512xi32, #tpu.memory_space<vmem>> -> memref<128xi32, #tpu.memory_space<vmem>>
      %dma_start3A_244 = arith.constant 0 : i32
      %dma_start3A_245 = arith.constant 0 : i32
      %dma_start3A_246 = tpu.memref_slice %arg3[%dma_start3A_244, %dma_start3A_245] : memref<1000000x32xf32, #tpu.memory_space<hbm>> -> memref<1000000x32xf32, #tpu.memory_space<hbm>>
      tpu.enqueue_indirect_dma source(%dma_start3A_246 : memref<1000000x32xf32, #tpu.memory_space<hbm>>) target(%dma_start3A_238 : memref<128x32xf32, #tpu.memory_space<vmem>>) offsets(%dma_start3A_243 : memref<128xi32, #tpu.memory_space<vmem>>) semaphore(%arg9 : memref<!tpu.dma_semaphore, #tpu.memory_space<semaphore_mem>>)
      %dma_start3A_247 = arith.constant 1 : i32
      %dma_start3A_248 = arith.constant 1 : i32
      %dma_start3A_249 = arith.constant 0 : i32
      %dma_start3A_250 = arith.constant 0 : i32
      %dma_start3A_251 = tpu.memref_slice %arg6[%dma_start3A_248, %dma_start3A_249, %dma_start3A_250] : memref<2x512x32xf32, #tpu.memory_space<vmem>> -> memref<1x512x32xf32, #tpu.memory_space<vmem>>
      %dma_start3A_252 = tpu.memref_squeeze %dma_start3A_251 : memref<1x512x32xf32, #tpu.memory_space<vmem>> -> memref<512x32xf32, #tpu.memory_space<vmem>>
      %dma_start3A_253 = arith.constant 384 : i32
      %dma_start3A_254 = arith.constant 0 : i32
      %dma_start3A_255 = tpu.memref_slice %dma_start3A_252[%dma_start3A_253, %dma_start3A_254] : memref<512x32xf32, #tpu.memory_space<vmem>> -> memref<128x32xf32, #tpu.memory_space<vmem>>
      %dma_start3A_256 = arith.constant 0 : i32
      %dma_start3A_257 = tpu.memref_slice %arg5[%dma_start3A_247, %dma_start3A_256] : memref<2x512xi32, #tpu.memory_space<vmem>> -> memref<1x512xi32, #tpu.memory_space<vmem>>
      %dma_start3A_258 = tpu.memref_squeeze %dma_start3A_257 : memref<1x512xi32, #tpu.memory_space<vmem>> -> memref<512xi32, #tpu.memory_space<vmem>>
      %dma_start3A_259 = arith.constant 384 : i32
      %dma_start3A_260 = tpu.memref_slice %dma_start3A_258[%dma_start3A_259] : memref<512xi32, #tpu.memory_space<vmem>> -> memref<128xi32, #tpu.memory_space<vmem>>
      %dma_start3A_261 = arith.constant 0 : i32
      %dma_start3A_262 = arith.constant 0 : i32
      %dma_start3A_263 = tpu.memref_slice %arg3[%dma_start3A_261, %dma_start3A_262] : memref<1000000x32xf32, #tpu.memory_space<hbm>> -> memref<1000000x32xf32, #tpu.memory_space<hbm>>
      tpu.enqueue_indirect_dma source(%dma_start3A_263 : memref<1000000x32xf32, #tpu.memory_space<hbm>>) target(%dma_start3A_255 : memref<128x32xf32, #tpu.memory_space<vmem>>) offsets(%dma_start3A_260 : memref<128xi32, #tpu.memory_space<vmem>>) semaphore(%arg9 : memref<!tpu.dma_semaphore, #tpu.memory_space<semaphore_mem>>)
      %dma_wait3A_264 = arith.constant 0 : i32
      %dma_wait3A_265 = arith.constant 0 : i32
      %dma_wait3A_266 = arith.constant 0 : i32
      %dma_wait3A_267 = tpu.memref_slice %arg6[%dma_wait3A_264, %dma_wait3A_265, %dma_wait3A_266] : memref<2x512x32xf32, #tpu.memory_space<vmem>> -> memref<1x512x32xf32, #tpu.memory_space<vmem>>
      %dma_wait3A_268 = tpu.memref_squeeze %dma_wait3A_267 : memref<1x512x32xf32, #tpu.memory_space<vmem>> -> memref<512x32xf32, #tpu.memory_space<vmem>>
      %dma_wait3A_269 = arith.constant 0 : i32
      %dma_wait3A_270 = arith.constant 0 : i32
      %dma_wait3A_271 = tpu.memref_slice %arg3[%dma_wait3A_269, %dma_wait3A_270] : memref<1000000x32xf32, #tpu.memory_space<hbm>> -> memref<512x32xf32, #tpu.memory_space<hbm>>
      %dma_wait3A_272 = arith.constant 0 : i32
      %dma_wait3A_273 = arith.constant 0 : i32
      %dma_wait3A_274 = tpu.memref_slice %arg6[%dma_wait3A_264, %dma_wait3A_272, %dma_wait3A_273] : memref<2x512x32xf32, #tpu.memory_space<vmem>> -> memref<1x512x32xf32, #tpu.memory_space<vmem>>
      %dma_wait3A_275 = tpu.memref_squeeze %dma_wait3A_274 : memref<1x512x32xf32, #tpu.memory_space<vmem>> -> memref<512x32xf32, #tpu.memory_space<vmem>>
      %dma_wait3A_276 = arith.constant 0 : i32
      %dma_wait3A_277 = arith.constant 0 : i32
      %dma_wait3A_278 = tpu.memref_slice %arg3[%dma_wait3A_276, %dma_wait3A_277] : memref<1000000x32xf32, #tpu.memory_space<hbm>> -> memref<512x32xf32, #tpu.memory_space<hbm>>
      tpu.wait_dma2 semaphore(%arg8 : memref<!tpu.dma_semaphore, #tpu.memory_space<semaphore_mem>>) src(%dma_wait3A_278 : memref<512x32xf32, #tpu.memory_space<hbm>>) dst(%dma_wait3A_275 : memref<512x32xf32, #tpu.memory_space<vmem>>)
      %dma_wait3A_279 = arith.constant 0 : i32
      %dma_wait3A_280 = arith.constant 0 : i32
      %dma_wait3A_281 = arith.constant 0 : i32
      %dma_wait3A_282 = arith.constant 0 : i32
      %dma_wait3A_283 = tpu.memref_slice %arg7[%dma_wait3A_280, %dma_wait3A_281, %dma_wait3A_282] : memref<2x32x528xf32, #tpu.memory_space<vmem>> -> memref<1x32x528xf32, #tpu.memory_space<vmem>>
      %dma_wait3A_284 = tpu.memref_squeeze %dma_wait3A_283 : memref<1x32x528xf32, #tpu.memory_space<vmem>> -> memref<32x528xf32, #tpu.memory_space<vmem>>
      %dma_wait3A_285 = arith.constant 0 : i32
      %dma_wait3A_286 = arith.constant 0 : i32
      %dma_wait3A_287 = tpu.memref_slice %dma_wait3A_284[%dma_wait3A_285, %dma_wait3A_286] : memref<32x528xf32, #tpu.memory_space<vmem>> -> memref<32x512xf32, #tpu.memory_space<vmem>>
      %dma_wait3A_288 = arith.constant 0 : i32
      %dma_wait3A_289 = arith.constant 0 : i32
      %dma_wait3A_290 = tpu.memref_slice %arg4[%dma_wait3A_279, %dma_wait3A_288, %dma_wait3A_289] : memref<200x32x16384xf32, #tpu.memory_space<hbm>> -> memref<1x32x512xf32, #tpu.memory_space<hbm>>
      %dma_wait3A_291 = tpu.memref_squeeze %dma_wait3A_290 : memref<1x32x512xf32, #tpu.memory_space<hbm>> -> memref<32x512xf32, #tpu.memory_space<hbm>>
      %dma_wait3A_292 = arith.constant 0 : i32
      %dma_wait3A_293 = arith.constant 0 : i32
      %dma_wait3A_294 = tpu.memref_slice %arg7[%dma_wait3A_280, %dma_wait3A_292, %dma_wait3A_293] : memref<2x32x528xf32, #tpu.memory_space<vmem>> -> memref<1x32x528xf32, #tpu.memory_space<vmem>>
      %dma_wait3A_295 = tpu.memref_squeeze %dma_wait3A_294 : memref<1x32x528xf32, #tpu.memory_space<vmem>> -> memref<32x528xf32, #tpu.memory_space<vmem>>
      %dma_wait3A_296 = arith.constant 0 : i32
      %dma_wait3A_297 = arith.constant 0 : i32
      %dma_wait3A_298 = tpu.memref_slice %dma_wait3A_295[%dma_wait3A_296, %dma_wait3A_297] : memref<32x528xf32, #tpu.memory_space<vmem>> -> memref<32x512xf32, #tpu.memory_space<vmem>>
      %dma_wait3A_299 = arith.constant 0 : i32
      %dma_wait3A_300 = arith.constant 0 : i32
      %dma_wait3A_301 = tpu.memref_slice %arg4[%dma_wait3A_279, %dma_wait3A_299, %dma_wait3A_300] : memref<200x32x16384xf32, #tpu.memory_space<hbm>> -> memref<1x32x512xf32, #tpu.memory_space<hbm>>
      %dma_wait3A_302 = tpu.memref_squeeze %dma_wait3A_301 : memref<1x32x512xf32, #tpu.memory_space<hbm>> -> memref<32x512xf32, #tpu.memory_space<hbm>>
      tpu.wait_dma2 semaphore(%arg10 : memref<!tpu.dma_semaphore, #tpu.memory_space<semaphore_mem>>) src(%dma_wait3A_302 : memref<32x512xf32, #tpu.memory_space<hbm>>) dst(%dma_wait3A_298 : memref<32x512xf32, #tpu.memory_space<vmem>>)
      %sub3A = arith.constant 1 : i32
      %sub3A_303 = arith.subi %add3A_189, %sub3A : i32
      %add3A_304 = arith.constant 0 : i32
      %add3A_305 = vector.broadcast %add3A_304 : i32 to vector<16xi32>
      %add3A_306 = arith.addi %iota3A, %add3A_305 : vector<16xi32>
      %add3A_307 = arith.constant 16 : i32
      %add3A_308 = vector.broadcast %add3A_307 : i32 to vector<16xi32>
      %add3A_309 = arith.addi %iota3A, %add3A_308 : vector<16xi32>
      %parallel_loop3A = arith.constant 0 : i32
      %parallel_loop3A_310 = arith.constant 512 : i32
      %parallel_loop3A_311 = arith.constant 1 : i32
      %parallel_loop3A_312 = arith.constant 0 : i32
      %parallel_loop3A_313 = arith.constant 0 : i32
      scf.for %parallel_loop3A_490 = %parallel_loop3A to %parallel_loop3A_310 step %parallel_loop3A_311  : i32 {
        %parallel_loop3A_491 = arith.constant 0 : i32
        %parallel_loop3A_492 = vector.broadcast %parallel_loop3A_491 : i32 to vector<16xi32>
        %parallel_loop3A_493 = vector.broadcast %parallel_loop3A_490 : i32 to vector<16xi32>
        %parallel_loop3A_494 = arith.addi %parallel_loop3A_492, %parallel_loop3A_493 : vector<16xi32>
        %parallel_loop3A_495 = arith.constant 0 : i32
        %parallel_loop3A_496 = arith.constant 0 : i32
        %parallel_loop3A_497 = tpu.memref_slice %arg6[%parallel_loop3A_312, %parallel_loop3A_495, %parallel_loop3A_496] : memref<2x512x32xf32, #tpu.memory_space<vmem>> -> memref<1x512x32xf32, #tpu.memory_space<vmem>>
        %parallel_loop3A_498 = tpu.memref_squeeze %parallel_loop3A_497 : memref<1x512x32xf32, #tpu.memory_space<vmem>> -> memref<512x32xf32, #tpu.memory_space<vmem>>
        %parallel_loop3A_499 = arith.index_cast %parallel_loop3A_490 : i32 to index
        %parallel_loop3A_500 = arith.constant 0 : index
        %parallel_loop3A_501 = tpu.vector_load %parallel_loop3A_498[%parallel_loop3A_499, %parallel_loop3A_500] {strides = array<i32>} : memref<512x32xf32, #tpu.memory_space<vmem>>, vector<16xf32>,
        %parallel_loop3A_502 = arith.constant 0 : i32
        %parallel_loop3A_503 = arith.constant 0 : i32
        %parallel_loop3A_504 = tpu.memref_slice %arg7[%parallel_loop3A_313, %parallel_loop3A_502, %parallel_loop3A_503] : memref<2x32x528xf32, #tpu.memory_space<vmem>> -> memref<1x32x528xf32, #tpu.memory_space<vmem>>
        %parallel_loop3A_505 = tpu.memref_squeeze %parallel_loop3A_504 : memref<1x32x528xf32, #tpu.memory_space<vmem>> -> memref<32x528xf32, #tpu.memory_space<vmem>>
        tpu.vector_store_idx %parallel_loop3A_505[%add3A_306, %parallel_loop3A_494], %parallel_loop3A_501 : memref<32x528xf32, #tpu.memory_space<vmem>>[vector<16xi32>, vector<16xi32>], vector<16xf32>,
        %parallel_loop3A_506 = arith.constant 0 : i32
        %parallel_loop3A_507 = arith.constant 0 : i32
        %parallel_loop3A_508 = tpu.memref_slice %arg6[%parallel_loop3A_312, %parallel_loop3A_506, %parallel_loop3A_507] : memref<2x512x32xf32, #tpu.memory_space<vmem>> -> memref<1x512x32xf32, #tpu.memory_space<vmem>>
        %parallel_loop3A_509 = tpu.memref_squeeze %parallel_loop3A_508 : memref<1x512x32xf32, #tpu.memory_space<vmem>> -> memref<512x32xf32, #tpu.memory_space<vmem>>
        %parallel_loop3A_510 = arith.index_cast %parallel_loop3A_490 : i32 to index
        %parallel_loop3A_511 = arith.constant 16 : index
        %parallel_loop3A_512 = tpu.vector_load %parallel_loop3A_509[%parallel_loop3A_510, %parallel_loop3A_511] {strides = array<i32>} : memref<512x32xf32, #tpu.memory_space<vmem>>, vector<16xf32>,
        %parallel_loop3A_513 = arith.constant 0 : i32
        %parallel_loop3A_514 = arith.constant 0 : i32
        %parallel_loop3A_515 = tpu.memref_slice %arg7[%parallel_loop3A_313, %parallel_loop3A_513, %parallel_loop3A_514] : memref<2x32x528xf32, #tpu.memory_space<vmem>> -> memref<1x32x528xf32, #tpu.memory_space<vmem>>
        %parallel_loop3A_516 = tpu.memref_squeeze %parallel_loop3A_515 : memref<1x32x528xf32, #tpu.memory_space<vmem>> -> memref<32x528xf32, #tpu.memory_space<vmem>>
        tpu.vector_store_idx %parallel_loop3A_516[%add3A_309, %parallel_loop3A_494], %parallel_loop3A_512 : memref<32x528xf32, #tpu.memory_space<vmem>>[vector<16xi32>, vector<16xi32>], vector<16xf32>,
      } {sc.loop_unroll_factor = 4 : i64, sc.parallel_access}
      %dma_start3A_314 = arith.constant 0 : i32
      %dma_start3A_315 = arith.constant 0 : i32
      %dma_start3A_316 = arith.constant 0 : i32
      %dma_start3A_317 = tpu.memref_slice %arg7[%dma_start3A_314, %dma_start3A_315, %dma_start3A_316] : memref<2x32x528xf32, #tpu.memory_space<vmem>> -> memref<1x32x528xf32, #tpu.memory_space<vmem>>
      %dma_start3A_318 = tpu.memref_squeeze %dma_start3A_317 : memref<1x32x528xf32, #tpu.memory_space<vmem>> -> memref<32x528xf32, #tpu.memory_space<vmem>>
      %dma_start3A_319 = arith.constant 0 : i32
      %dma_start3A_320 = arith.constant 0 : i32
      %dma_start3A_321 = tpu.memref_slice %dma_start3A_318[%dma_start3A_319, %dma_start3A_320] : memref<32x528xf32, #tpu.memory_space<vmem>> -> memref<32x512xf32, #tpu.memory_space<vmem>>
      %dma_start3A_322 = arith.constant 0 : i32
      %dma_start3A_323 = tpu.memref_slice %arg4[%sub3A_303, %dma_start3A_322, %mul3A_2] : memref<200x32x16384xf32, #tpu.memory_space<hbm>> -> memref<1x32x512xf32, #tpu.memory_space<hbm>>
      %dma_start3A_324 = tpu.memref_squeeze %dma_start3A_323 : memref<1x32x512xf32, #tpu.memory_space<hbm>> -> memref<32x512xf32, #tpu.memory_space<hbm>>
      %dma_start3A_325 = arith.constant 0 : i32
      %dma_start3A_326 = tpu.memref_slice %arg4[%sub3A_303, %dma_start3A_325, %mul3A_2] : memref<200x32x16384xf32, #tpu.memory_space<hbm>> -> memref<1x32x512xf32, #tpu.memory_space<hbm>>
      %dma_start3A_327 = tpu.memref_squeeze %dma_start3A_326 : memref<1x32x512xf32, #tpu.memory_space<hbm>> -> memref<32x512xf32, #tpu.memory_space<hbm>>
      %dma_start3A_328 = arith.constant 0 : i32
      %dma_start3A_329 = arith.constant 0 : i32
      %dma_start3A_330 = tpu.memref_slice %arg7[%dma_start3A_314, %dma_start3A_328, %dma_start3A_329] : memref<2x32x528xf32, #tpu.memory_space<vmem>> -> memref<1x32x528xf32, #tpu.memory_space<vmem>>
      %dma_start3A_331 = tpu.memref_squeeze %dma_start3A_330 : memref<1x32x528xf32, #tpu.memory_space<vmem>> -> memref<32x528xf32, #tpu.memory_space<vmem>>
      %dma_start3A_332 = arith.constant 0 : i32
      %dma_start3A_333 = arith.constant 0 : i32
      %dma_start3A_334 = tpu.memref_slice %dma_start3A_331[%dma_start3A_332, %dma_start3A_333] : memref<32x528xf32, #tpu.memory_space<vmem>> -> memref<32x512xf32, #tpu.memory_space<vmem>>
      tpu.enqueue_dma source(%dma_start3A_334 : memref<32x512xf32, #tpu.memory_space<vmem>>) target(%dma_start3A_327 : memref<32x512xf32, #tpu.memory_space<hbm>>) target_semaphore(%arg10 : memref<!tpu.dma_semaphore, #tpu.memory_space<semaphore_mem>>)
      %mul3A_335 = arith.constant 2 : i32
      %mul3A_336 = arith.muli %mul3A_335, %scan3A_183 : i32
      %add3A_337 = arith.constant 1 : i32
      %add3A_338 = arith.addi %mul3A_336, %add3A_337 : i32
      %add3A_339 = arith.constant 1 : i32
      %add3A_340 = arith.addi %add3A_338, %add3A_339 : i32
      %lt3A_341 = arith.constant 200 : i32
      %lt3A_342 = arith.cmpi slt, %add3A_340, %lt3A_341 : i32
      %select_n3A_343 = arith.constant 199 : i32
      %select_n3A_344 = arith.select %lt3A_342, %add3A_340, %select_n3A_343 : i32
      %mul3A_345 = arith.constant 16384 : i32
      %mul3A_346 = arith.muli %select_n3A_344, %mul3A_345 : i32
      %add3A_347 = arith.addi %mul3A_346, %mul3A_2 : i32
      %run_scoped3A_348 = arith.constant 0 : i32
      "tpu.region"() ({
        %run_scoped3A_490 = tpu.sem_alloc : memref<!tpu.dma_semaphore, #tpu.memory_space<semaphore_mem>>
        %dma_start3A_491 = arith.constant 0 : i32
        %dma_start3A_492 = tpu.memref_slice %arg5[%run_scoped3A_348, %dma_start3A_491] : memref<2x512xi32, #tpu.memory_space<vmem>> -> memref<1x512xi32, #tpu.memory_space<vmem>>
        %dma_start3A_493 = tpu.memref_squeeze %dma_start3A_492 : memref<1x512xi32, #tpu.memory_space<vmem>> -> memref<512xi32, #tpu.memory_space<vmem>>
        %dma_start3A_494 = tpu.memref_slice %arg2[%add3A_347] : memref<3276800xi32, #tpu.memory_space<hbm>> -> memref<512xi32, #tpu.memory_space<hbm>>
        %dma_start3A_495 = arith.constant 0 : i32
        %dma_start3A_496 = tpu.memref_slice %arg5[%run_scoped3A_348, %dma_start3A_495] : memref<2x512xi32, #tpu.memory_space<vmem>> -> memref<1x512xi32, #tpu.memory_space<vmem>>
        %dma_start3A_497 = tpu.memref_squeeze %dma_start3A_496 : memref<1x512xi32, #tpu.memory_space<vmem>> -> memref<512xi32, #tpu.memory_space<vmem>>
        %dma_start3A_498 = tpu.memref_slice %arg2[%add3A_347] : memref<3276800xi32, #tpu.memory_space<hbm>> -> memref<512xi32, #tpu.memory_space<hbm>>
        tpu.enqueue_dma source(%dma_start3A_498 : memref<512xi32, #tpu.memory_space<hbm>>) target(%dma_start3A_497 : memref<512xi32, #tpu.memory_space<vmem>>) target_semaphore(%run_scoped3A_490 : memref<!tpu.dma_semaphore, #tpu.memory_space<semaphore_mem>>)
        %dma_wait3A_499 = arith.constant 0 : i32
        %dma_wait3A_500 = tpu.memref_slice %arg5[%run_scoped3A_348, %dma_wait3A_499] : memref<2x512xi32, #tpu.memory_space<vmem>> -> memref<1x512xi32, #tpu.memory_space<vmem>>
        %dma_wait3A_501 = tpu.memref_squeeze %dma_wait3A_500 : memref<1x512xi32, #tpu.memory_space<vmem>> -> memref<512xi32, #tpu.memory_space<vmem>>
        %dma_wait3A_502 = tpu.memref_slice %arg2[%add3A_347] : memref<3276800xi32, #tpu.memory_space<hbm>> -> memref<512xi32, #tpu.memory_space<hbm>>
        %dma_wait3A_503 = arith.constant 0 : i32
        %dma_wait3A_504 = tpu.memref_slice %arg5[%run_scoped3A_348, %dma_wait3A_503] : memref<2x512xi32, #tpu.memory_space<vmem>> -> memref<1x512xi32, #tpu.memory_space<vmem>>
        %dma_wait3A_505 = tpu.memref_squeeze %dma_wait3A_504 : memref<1x512xi32, #tpu.memory_space<vmem>> -> memref<512xi32, #tpu.memory_space<vmem>>
        %dma_wait3A_506 = tpu.memref_slice %arg2[%add3A_347] : memref<3276800xi32, #tpu.memory_space<hbm>> -> memref<512xi32, #tpu.memory_space<hbm>>
        tpu.wait_dma2 semaphore(%run_scoped3A_490 : memref<!tpu.dma_semaphore, #tpu.memory_space<semaphore_mem>>) src(%dma_wait3A_506 : memref<512xi32, #tpu.memory_space<hbm>>) dst(%dma_wait3A_505 : memref<512xi32, #tpu.memory_space<vmem>>)
        tpu.yield
      }) : () -> ()
      %dma_start3A_349 = arith.constant 0 : i32
      %dma_start3A_350 = arith.constant 0 : i32
      %dma_start3A_351 = arith.constant 0 : i32
      %dma_start3A_352 = arith.constant 0 : i32
      %dma_start3A_353 = tpu.memref_slice %arg6[%dma_start3A_350, %dma_start3A_351, %dma_start3A_352] : memref<2x512x32xf32, #tpu.memory_space<vmem>> -> memref<1x512x32xf32, #tpu.memory_space<vmem>>
      %dma_start3A_354 = tpu.memref_squeeze %dma_start3A_353 : memref<1x512x32xf32, #tpu.memory_space<vmem>> -> memref<512x32xf32, #tpu.memory_space<vmem>>
      %dma_start3A_355 = arith.constant 0 : i32
      %dma_start3A_356 = arith.constant 0 : i32
      %dma_start3A_357 = tpu.memref_slice %dma_start3A_354[%dma_start3A_355, %dma_start3A_356] : memref<512x32xf32, #tpu.memory_space<vmem>> -> memref<128x32xf32, #tpu.memory_space<vmem>>
      %dma_start3A_358 = arith.constant 0 : i32
      %dma_start3A_359 = tpu.memref_slice %arg5[%dma_start3A_349, %dma_start3A_358] : memref<2x512xi32, #tpu.memory_space<vmem>> -> memref<1x512xi32, #tpu.memory_space<vmem>>
      %dma_start3A_360 = tpu.memref_squeeze %dma_start3A_359 : memref<1x512xi32, #tpu.memory_space<vmem>> -> memref<512xi32, #tpu.memory_space<vmem>>
      %dma_start3A_361 = arith.constant 0 : i32
      %dma_start3A_362 = tpu.memref_slice %dma_start3A_360[%dma_start3A_361] : memref<512xi32, #tpu.memory_space<vmem>> -> memref<128xi32, #tpu.memory_space<vmem>>
      %dma_start3A_363 = arith.constant 0 : i32
      %dma_start3A_364 = arith.constant 0 : i32
      %dma_start3A_365 = tpu.memref_slice %arg3[%dma_start3A_363, %dma_start3A_364] : memref<1000000x32xf32, #tpu.memory_space<hbm>> -> memref<1000000x32xf32, #tpu.memory_space<hbm>>
      tpu.enqueue_indirect_dma source(%dma_start3A_365 : memref<1000000x32xf32, #tpu.memory_space<hbm>>) target(%dma_start3A_357 : memref<128x32xf32, #tpu.memory_space<vmem>>) offsets(%dma_start3A_362 : memref<128xi32, #tpu.memory_space<vmem>>) semaphore(%arg8 : memref<!tpu.dma_semaphore, #tpu.memory_space<semaphore_mem>>)
      %dma_start3A_366 = arith.constant 0 : i32
      %dma_start3A_367 = arith.constant 0 : i32
      %dma_start3A_368 = arith.constant 0 : i32
      %dma_start3A_369 = arith.constant 0 : i32
      %dma_start3A_370 = tpu.memref_slice %arg6[%dma_start3A_367, %dma_start3A_368, %dma_start3A_369] : memref<2x512x32xf32, #tpu.memory_space<vmem>> -> memref<1x512x32xf32, #tpu.memory_space<vmem>>
      %dma_start3A_371 = tpu.memref_squeeze %dma_start3A_370 : memref<1x512x32xf32, #tpu.memory_space<vmem>> -> memref<512x32xf32, #tpu.memory_space<vmem>>
      %dma_start3A_372 = arith.constant 128 : i32
      %dma_start3A_373 = arith.constant 0 : i32
      %dma_start3A_374 = tpu.memref_slice %dma_start3A_371[%dma_start3A_372, %dma_start3A_373] : memref<512x32xf32, #tpu.memory_space<vmem>> -> memref<128x32xf32, #tpu.memory_space<vmem>>
      %dma_start3A_375 = arith.constant 0 : i32
      %dma_start3A_376 = tpu.memref_slice %arg5[%dma_start3A_366, %dma_start3A_375] : memref<2x512xi32, #tpu.memory_space<vmem>> -> memref<1x512xi32, #tpu.memory_space<vmem>>
      %dma_start3A_377 = tpu.memref_squeeze %dma_start3A_376 : memref<1x512xi32, #tpu.memory_space<vmem>> -> memref<512xi32, #tpu.memory_space<vmem>>
      %dma_start3A_378 = arith.constant 128 : i32
      %dma_start3A_379 = tpu.memref_slice %dma_start3A_377[%dma_start3A_378] : memref<512xi32, #tpu.memory_space<vmem>> -> memref<128xi32, #tpu.memory_space<vmem>>
      %dma_start3A_380 = arith.constant 0 : i32
      %dma_start3A_381 = arith.constant 0 : i32
      %dma_start3A_382 = tpu.memref_slice %arg3[%dma_start3A_380, %dma_start3A_381] : memref<1000000x32xf32, #tpu.memory_space<hbm>> -> memref<1000000x32xf32, #tpu.memory_space<hbm>>
      tpu.enqueue_indirect_dma source(%dma_start3A_382 : memref<1000000x32xf32, #tpu.memory_space<hbm>>) target(%dma_start3A_374 : memref<128x32xf32, #tpu.memory_space<vmem>>) offsets(%dma_start3A_379 : memref<128xi32, #tpu.memory_space<vmem>>) semaphore(%arg8 : memref<!tpu.dma_semaphore, #tpu.memory_space<semaphore_mem>>)
      %dma_start3A_383 = arith.constant 0 : i32
      %dma_start3A_384 = arith.constant 0 : i32
      %dma_start3A_385 = arith.constant 0 : i32
      %dma_start3A_386 = arith.constant 0 : i32
      %dma_start3A_387 = tpu.memref_slice %arg6[%dma_start3A_384, %dma_start3A_385, %dma_start3A_386] : memref<2x512x32xf32, #tpu.memory_space<vmem>> -> memref<1x512x32xf32, #tpu.memory_space<vmem>>
      %dma_start3A_388 = tpu.memref_squeeze %dma_start3A_387 : memref<1x512x32xf32, #tpu.memory_space<vmem>> -> memref<512x32xf32, #tpu.memory_space<vmem>>
      %dma_start3A_389 = arith.constant 256 : i32
      %dma_start3A_390 = arith.constant 0 : i32
      %dma_start3A_391 = tpu.memref_slice %dma_start3A_388[%dma_start3A_389, %dma_start3A_390] : memref<512x32xf32, #tpu.memory_space<vmem>> -> memref<128x32xf32, #tpu.memory_space<vmem>>
      %dma_start3A_392 = arith.constant 0 : i32
      %dma_start3A_393 = tpu.memref_slice %arg5[%dma_start3A_383, %dma_start3A_392] : memref<2x512xi32, #tpu.memory_space<vmem>> -> memref<1x512xi32, #tpu.memory_space<vmem>>
      %dma_start3A_394 = tpu.memref_squeeze %dma_start3A_393 : memref<1x512xi32, #tpu.memory_space<vmem>> -> memref<512xi32, #tpu.memory_space<vmem>>
      %dma_start3A_395 = arith.constant 256 : i32
      %dma_start3A_396 = tpu.memref_slice %dma_start3A_394[%dma_start3A_395] : memref<512xi32, #tpu.memory_space<vmem>> -> memref<128xi32, #tpu.memory_space<vmem>>
      %dma_start3A_397 = arith.constant 0 : i32
      %dma_start3A_398 = arith.constant 0 : i32
      %dma_start3A_399 = tpu.memref_slice %arg3[%dma_start3A_397, %dma_start3A_398] : memref<1000000x32xf32, #tpu.memory_space<hbm>> -> memref<1000000x32xf32, #tpu.memory_space<hbm>>
      tpu.enqueue_indirect_dma source(%dma_start3A_399 : memref<1000000x32xf32, #tpu.memory_space<hbm>>) target(%dma_start3A_391 : memref<128x32xf32, #tpu.memory_space<vmem>>) offsets(%dma_start3A_396 : memref<128xi32, #tpu.memory_space<vmem>>) semaphore(%arg8 : memref<!tpu.dma_semaphore, #tpu.memory_space<semaphore_mem>>)
      %dma_start3A_400 = arith.constant 0 : i32
      %dma_start3A_401 = arith.constant 0 : i32
      %dma_start3A_402 = arith.constant 0 : i32
      %dma_start3A_403 = arith.constant 0 : i32
      %dma_start3A_404 = tpu.memref_slice %arg6[%dma_start3A_401, %dma_start3A_402, %dma_start3A_403] : memref<2x512x32xf32, #tpu.memory_space<vmem>> -> memref<1x512x32xf32, #tpu.memory_space<vmem>>
      %dma_start3A_405 = tpu.memref_squeeze %dma_start3A_404 : memref<1x512x32xf32, #tpu.memory_space<vmem>> -> memref<512x32xf32, #tpu.memory_space<vmem>>
      %dma_start3A_406 = arith.constant 384 : i32
      %dma_start3A_407 = arith.constant 0 : i32
      %dma_start3A_408 = tpu.memref_slice %dma_start3A_405[%dma_start3A_406, %dma_start3A_407] : memref<512x32xf32, #tpu.memory_space<vmem>> -> memref<128x32xf32, #tpu.memory_space<vmem>>
      %dma_start3A_409 = arith.constant 0 : i32
      %dma_start3A_410 = tpu.memref_slice %arg5[%dma_start3A_400, %dma_start3A_409] : memref<2x512xi32, #tpu.memory_space<vmem>> -> memref<1x512xi32, #tpu.memory_space<vmem>>
      %dma_start3A_411 = tpu.memref_squeeze %dma_start3A_410 : memref<1x512xi32, #tpu.memory_space<vmem>> -> memref<512xi32, #tpu.memory_space<vmem>>
      %dma_start3A_412 = arith.constant 384 : i32
      %dma_start3A_413 = tpu.memref_slice %dma_start3A_411[%dma_start3A_412] : memref<512xi32, #tpu.memory_space<vmem>> -> memref<128xi32, #tpu.memory_space<vmem>>
      %dma_start3A_414 = arith.constant 0 : i32
      %dma_start3A_415 = arith.constant 0 : i32
      %dma_start3A_416 = tpu.memref_slice %arg3[%dma_start3A_414, %dma_start3A_415] : memref<1000000x32xf32, #tpu.memory_space<hbm>> -> memref<1000000x32xf32, #tpu.memory_space<hbm>>
      tpu.enqueue_indirect_dma source(%dma_start3A_416 : memref<1000000x32xf32, #tpu.memory_space<hbm>>) target(%dma_start3A_408 : memref<128x32xf32, #tpu.memory_space<vmem>>) offsets(%dma_start3A_413 : memref<128xi32, #tpu.memory_space<vmem>>) semaphore(%arg8 : memref<!tpu.dma_semaphore, #tpu.memory_space<semaphore_mem>>)
      %dma_wait3A_417 = arith.constant 1 : i32
      %dma_wait3A_418 = arith.constant 0 : i32
      %dma_wait3A_419 = arith.constant 0 : i32
      %dma_wait3A_420 = tpu.memref_slice %arg6[%dma_wait3A_417, %dma_wait3A_418, %dma_wait3A_419] : memref<2x512x32xf32, #tpu.memory_space<vmem>> -> memref<1x512x32xf32, #tpu.memory_space<vmem>>
      %dma_wait3A_421 = tpu.memref_squeeze %dma_wait3A_420 : memref<1x512x32xf32, #tpu.memory_space<vmem>> -> memref<512x32xf32, #tpu.memory_space<vmem>>
      %dma_wait3A_422 = arith.constant 0 : i32
      %dma_wait3A_423 = arith.constant 0 : i32
      %dma_wait3A_424 = tpu.memref_slice %arg3[%dma_wait3A_422, %dma_wait3A_423] : memref<1000000x32xf32, #tpu.memory_space<hbm>> -> memref<512x32xf32, #tpu.memory_space<hbm>>
      %dma_wait3A_425 = arith.constant 0 : i32
      %dma_wait3A_426 = arith.constant 0 : i32
      %dma_wait3A_427 = tpu.memref_slice %arg6[%dma_wait3A_417, %dma_wait3A_425, %dma_wait3A_426] : memref<2x512x32xf32, #tpu.memory_space<vmem>> -> memref<1x512x32xf32, #tpu.memory_space<vmem>>
      %dma_wait3A_428 = tpu.memref_squeeze %dma_wait3A_427 : memref<1x512x32xf32, #tpu.memory_space<vmem>> -> memref<512x32xf32, #tpu.memory_space<vmem>>
      %dma_wait3A_429 = arith.constant 0 : i32
      %dma_wait3A_430 = arith.constant 0 : i32
      %dma_wait3A_431 = tpu.memref_slice %arg3[%dma_wait3A_429, %dma_wait3A_430] : memref<1000000x32xf32, #tpu.memory_space<hbm>> -> memref<512x32xf32, #tpu.memory_space<hbm>>
      tpu.wait_dma2 semaphore(%arg9 : memref<!tpu.dma_semaphore, #tpu.memory_space<semaphore_mem>>) src(%dma_wait3A_431 : memref<512x32xf32, #tpu.memory_space<hbm>>) dst(%dma_wait3A_428 : memref<512x32xf32, #tpu.memory_space<vmem>>)
      %dma_wait3A_432 = arith.constant 0 : i32
      %dma_wait3A_433 = arith.constant 1 : i32
      %dma_wait3A_434 = arith.constant 0 : i32
      %dma_wait3A_435 = arith.constant 0 : i32
      %dma_wait3A_436 = tpu.memref_slice %arg7[%dma_wait3A_433, %dma_wait3A_434, %dma_wait3A_435] : memref<2x32x528xf32, #tpu.memory_space<vmem>> -> memref<1x32x528xf32, #tpu.memory_space<vmem>>
      %dma_wait3A_437 = tpu.memref_squeeze %dma_wait3A_436 : memref<1x32x528xf32, #tpu.memory_space<vmem>> -> memref<32x528xf32, #tpu.memory_space<vmem>>
      %dma_wait3A_438 = arith.constant 0 : i32
      %dma_wait3A_439 = arith.constant 0 : i32
      %dma_wait3A_440 = tpu.memref_slice %dma_wait3A_437[%dma_wait3A_438, %dma_wait3A_439] : memref<32x528xf32, #tpu.memory_space<vmem>> -> memref<32x512xf32, #tpu.memory_space<vmem>>
      %dma_wait3A_441 = arith.constant 0 : i32
      %dma_wait3A_442 = arith.constant 0 : i32
      %dma_wait3A_443 = tpu.memref_slice %arg4[%dma_wait3A_432, %dma_wait3A_441, %dma_wait3A_442] : memref<200x32x16384xf32, #tpu.memory_space<hbm>> -> memref<1x32x512xf32, #tpu.memory_space<hbm>>
      %dma_wait3A_444 = tpu.memref_squeeze %dma_wait3A_443 : memref<1x32x512xf32, #tpu.memory_space<hbm>> -> memref<32x512xf32, #tpu.memory_space<hbm>>
      %dma_wait3A_445 = arith.constant 0 : i32
      %dma_wait3A_446 = arith.constant 0 : i32
      %dma_wait3A_447 = tpu.memref_slice %arg7[%dma_wait3A_433, %dma_wait3A_445, %dma_wait3A_446] : memref<2x32x528xf32, #tpu.memory_space<vmem>> -> memref<1x32x528xf32, #tpu.memory_space<vmem>>
      %dma_wait3A_448 = tpu.memref_squeeze %dma_wait3A_447 : memref<1x32x528xf32, #tpu.memory_space<vmem>> -> memref<32x528xf32, #tpu.memory_space<vmem>>
      %dma_wait3A_449 = arith.constant 0 : i32
      %dma_wait3A_450 = arith.constant 0 : i32
      %dma_wait3A_451 = tpu.memref_slice %dma_wait3A_448[%dma_wait3A_449, %dma_wait3A_450] : memref<32x528xf32, #tpu.memory_space<vmem>> -> memref<32x512xf32, #tpu.memory_space<vmem>>
      %dma_wait3A_452 = arith.constant 0 : i32
      %dma_wait3A_453 = arith.constant 0 : i32
      %dma_wait3A_454 = tpu.memref_slice %arg4[%dma_wait3A_432, %dma_wait3A_452, %dma_wait3A_453] : memref<200x32x16384xf32, #tpu.memory_space<hbm>> -> memref<1x32x512xf32, #tpu.memory_space<hbm>>
      %dma_wait3A_455 = tpu.memref_squeeze %dma_wait3A_454 : memref<1x32x512xf32, #tpu.memory_space<hbm>> -> memref<32x512xf32, #tpu.memory_space<hbm>>
      tpu.wait_dma2 semaphore(%arg11 : memref<!tpu.dma_semaphore, #tpu.memory_space<semaphore_mem>>) src(%dma_wait3A_455 : memref<32x512xf32, #tpu.memory_space<hbm>>) dst(%dma_wait3A_451 : memref<32x512xf32, #tpu.memory_space<vmem>>)
      %sub3A_456 = arith.constant 1 : i32
      %sub3A_457 = arith.subi %add3A_340, %sub3A_456 : i32
      %add3A_458 = arith.constant 0 : i32
      %add3A_459 = vector.broadcast %add3A_458 : i32 to vector<16xi32>
      %add3A_460 = arith.addi %iota3A, %add3A_459 : vector<16xi32>
      %add3A_461 = arith.constant 16 : i32
      %add3A_462 = vector.broadcast %add3A_461 : i32 to vector<16xi32>
      %add3A_463 = arith.addi %iota3A, %add3A_462 : vector<16xi32>
      %parallel_loop3A_464 = arith.constant 0 : i32
      %parallel_loop3A_465 = arith.constant 512 : i32
      %parallel_loop3A_466 = arith.constant 1 : i32
      %parallel_loop3A_467 = arith.constant 1 : i32
      %parallel_loop3A_468 = arith.constant 1 : i32
      scf.for %parallel_loop3A_490 = %parallel_loop3A_464 to %parallel_loop3A_465 step %parallel_loop3A_466  : i32 {
        %parallel_loop3A_491 = arith.constant 0 : i32
        %parallel_loop3A_492 = vector.broadcast %parallel_loop3A_491 : i32 to vector<16xi32>
        %parallel_loop3A_493 = vector.broadcast %parallel_loop3A_490 : i32 to vector<16xi32>
        %parallel_loop3A_494 = arith.addi %parallel_loop3A_492, %parallel_loop3A_493 : vector<16xi32>
        %parallel_loop3A_495 = arith.constant 0 : i32
        %parallel_loop3A_496 = arith.constant 0 : i32
        %parallel_loop3A_497 = tpu.memref_slice %arg6[%parallel_loop3A_467, %parallel_loop3A_495, %parallel_loop3A_496] : memref<2x512x32xf32, #tpu.memory_space<vmem>> -> memref<1x512x32xf32, #tpu.memory_space<vmem>>
        %parallel_loop3A_498 = tpu.memref_squeeze %parallel_loop3A_497 : memref<1x512x32xf32, #tpu.memory_space<vmem>> -> memref<512x32xf32, #tpu.memory_space<vmem>>
        %parallel_loop3A_499 = arith.index_cast %parallel_loop3A_490 : i32 to index
        %parallel_loop3A_500 = arith.constant 0 : index
        %parallel_loop3A_501 = tpu.vector_load %parallel_loop3A_498[%parallel_loop3A_499, %parallel_loop3A_500] {strides = array<i32>} : memref<512x32xf32, #tpu.memory_space<vmem>>, vector<16xf32>,
        %parallel_loop3A_502 = arith.constant 0 : i32
        %parallel_loop3A_503 = arith.constant 0 : i32
        %parallel_loop3A_504 = tpu.memref_slice %arg7[%parallel_loop3A_468, %parallel_loop3A_502, %parallel_loop3A_503] : memref<2x32x528xf32, #tpu.memory_space<vmem>> -> memref<1x32x528xf32, #tpu.memory_space<vmem>>
        %parallel_loop3A_505 = tpu.memref_squeeze %parallel_loop3A_504 : memref<1x32x528xf32, #tpu.memory_space<vmem>> -> memref<32x528xf32, #tpu.memory_space<vmem>>
        tpu.vector_store_idx %parallel_loop3A_505[%add3A_460, %parallel_loop3A_494], %parallel_loop3A_501 : memref<32x528xf32, #tpu.memory_space<vmem>>[vector<16xi32>, vector<16xi32>], vector<16xf32>,
        %parallel_loop3A_506 = arith.constant 0 : i32
        %parallel_loop3A_507 = arith.constant 0 : i32
        %parallel_loop3A_508 = tpu.memref_slice %arg6[%parallel_loop3A_467, %parallel_loop3A_506, %parallel_loop3A_507] : memref<2x512x32xf32, #tpu.memory_space<vmem>> -> memref<1x512x32xf32, #tpu.memory_space<vmem>>
        %parallel_loop3A_509 = tpu.memref_squeeze %parallel_loop3A_508 : memref<1x512x32xf32, #tpu.memory_space<vmem>> -> memref<512x32xf32, #tpu.memory_space<vmem>>
        %parallel_loop3A_510 = arith.index_cast %parallel_loop3A_490 : i32 to index
        %parallel_loop3A_511 = arith.constant 16 : index
        %parallel_loop3A_512 = tpu.vector_load %parallel_loop3A_509[%parallel_loop3A_510, %parallel_loop3A_511] {strides = array<i32>} : memref<512x32xf32, #tpu.memory_space<vmem>>, vector<16xf32>,
        %parallel_loop3A_513 = arith.constant 0 : i32
        %parallel_loop3A_514 = arith.constant 0 : i32
        %parallel_loop3A_515 = tpu.memref_slice %arg7[%parallel_loop3A_468, %parallel_loop3A_513, %parallel_loop3A_514] : memref<2x32x528xf32, #tpu.memory_space<vmem>> -> memref<1x32x528xf32, #tpu.memory_space<vmem>>
        %parallel_loop3A_516 = tpu.memref_squeeze %parallel_loop3A_515 : memref<1x32x528xf32, #tpu.memory_space<vmem>> -> memref<32x528xf32, #tpu.memory_space<vmem>>
        tpu.vector_store_idx %parallel_loop3A_516[%add3A_463, %parallel_loop3A_494], %parallel_loop3A_512 : memref<32x528xf32, #tpu.memory_space<vmem>>[vector<16xi32>, vector<16xi32>], vector<16xf32>,
      } {sc.loop_unroll_factor = 4 : i64, sc.parallel_access}
      %dma_start3A_469 = arith.constant 1 : i32
      %dma_start3A_470 = arith.constant 0 : i32
      %dma_start3A_471 = arith.constant 0 : i32
      %dma_start3A_472 = tpu.memref_slice %arg7[%dma_start3A_469, %dma_start3A_470, %dma_start3A_471] : memref<2x32x528xf32, #tpu.memory_space<vmem>> -> memref<1x32x528xf32, #tpu.memory_space<vmem>>
      %dma_start3A_473 = tpu.memref_squeeze %dma_start3A_472 : memref<1x32x528xf32, #tpu.memory_space<vmem>> -> memref<32x528xf32, #tpu.memory_space<vmem>>
      %dma_start3A_474 = arith.constant 0 : i32
      %dma_start3A_475 = arith.constant 0 : i32
      %dma_start3A_476 = tpu.memref_slice %dma_start3A_473[%dma_start3A_474, %dma_start3A_475] : memref<32x528xf32, #tpu.memory_space<vmem>> -> memref<32x512xf32, #tpu.memory_space<vmem>>
      %dma_start3A_477 = arith.constant 0 : i32
      %dma_start3A_478 = tpu.memref_slice %arg4[%sub3A_457, %dma_start3A_477, %mul3A_2] : memref<200x32x16384xf32, #tpu.memory_space<hbm>> -> memref<1x32x512xf32, #tpu.memory_space<hbm>>
      %dma_start3A_479 = tpu.memref_squeeze %dma_start3A_478 : memref<1x32x512xf32, #tpu.memory_space<hbm>> -> memref<32x512xf32, #tpu.memory_space<hbm>>
      %dma_start3A_480 = arith.constant 0 : i32
      %dma_start3A_481 = tpu.memref_slice %arg4[%sub3A_457, %dma_start3A_480, %mul3A_2] : memref<200x32x16384xf32, #tpu.memory_space<hbm>> -> memref<1x32x512xf32, #tpu.memory_space<hbm>>
      %dma_start3A_482 = tpu.memref_squeeze %dma_start3A_481 : memref<1x32x512xf32, #tpu.memory_space<hbm>> -> memref<32x512xf32, #tpu.memory_space<hbm>>
      %dma_start3A_483 = arith.constant 0 : i32
      %dma_start3A_484 = arith.constant 0 : i32
      %dma_start3A_485 = tpu.memref_slice %arg7[%dma_start3A_469, %dma_start3A_483, %dma_start3A_484] : memref<2x32x528xf32, #tpu.memory_space<vmem>> -> memref<1x32x528xf32, #tpu.memory_space<vmem>>
      %dma_start3A_486 = tpu.memref_squeeze %dma_start3A_485 : memref<1x32x528xf32, #tpu.memory_space<vmem>> -> memref<32x528xf32, #tpu.memory_space<vmem>>
      %dma_start3A_487 = arith.constant 0 : i32
      %dma_start3A_488 = arith.constant 0 : i32
      %dma_start3A_489 = tpu.memref_slice %dma_start3A_486[%dma_start3A_487, %dma_start3A_488] : memref<32x528xf32, #tpu.memory_space<vmem>> -> memref<32x512xf32, #tpu.memory_space<vmem>>
      tpu.enqueue_dma source(%dma_start3A_489 : memref<32x512xf32, #tpu.memory_space<vmem>>) target(%dma_start3A_482 : memref<32x512xf32, #tpu.memory_space<hbm>>) target_semaphore(%arg11 : memref<!tpu.dma_semaphore, #tpu.memory_space<semaphore_mem>>)
    }
    %scan3A_120 = arith.constant 100 : i32
    %dma_wait3A = arith.constant 0 : i32
    %dma_wait3A_121 = arith.constant 0 : i32
    %dma_wait3A_122 = arith.constant 0 : i32
    %dma_wait3A_123 = tpu.memref_slice %arg6[%dma_wait3A, %dma_wait3A_121, %dma_wait3A_122] : memref<2x512x32xf32, #tpu.memory_space<vmem>> -> memref<1x512x32xf32, #tpu.memory_space<vmem>>
    %dma_wait3A_124 = tpu.memref_squeeze %dma_wait3A_123 : memref<1x512x32xf32, #tpu.memory_space<vmem>> -> memref<512x32xf32, #tpu.memory_space<vmem>>
    %dma_wait3A_125 = arith.constant 0 : i32
    %dma_wait3A_126 = arith.constant 0 : i32
    %dma_wait3A_127 = tpu.memref_slice %arg3[%dma_wait3A_125, %dma_wait3A_126] : memref<1000000x32xf32, #tpu.memory_space<hbm>> -> memref<512x32xf32, #tpu.memory_space<hbm>>
    %dma_wait3A_128 = arith.constant 0 : i32
    %dma_wait3A_129 = arith.constant 0 : i32
    %dma_wait3A_130 = tpu.memref_slice %arg6[%dma_wait3A, %dma_wait3A_128, %dma_wait3A_129] : memref<2x512x32xf32, #tpu.memory_space<vmem>> -> memref<1x512x32xf32, #tpu.memory_space<vmem>>
    %dma_wait3A_131 = tpu.memref_squeeze %dma_wait3A_130 : memref<1x512x32xf32, #tpu.memory_space<vmem>> -> memref<512x32xf32, #tpu.memory_space<vmem>>
    %dma_wait3A_132 = arith.constant 0 : i32
    %dma_wait3A_133 = arith.constant 0 : i32
    %dma_wait3A_134 = tpu.memref_slice %arg3[%dma_wait3A_132, %dma_wait3A_133] : memref<1000000x32xf32, #tpu.memory_space<hbm>> -> memref<512x32xf32, #tpu.memory_space<hbm>>
    tpu.wait_dma2 semaphore(%arg8 : memref<!tpu.dma_semaphore, #tpu.memory_space<semaphore_mem>>) src(%dma_wait3A_134 : memref<512x32xf32, #tpu.memory_space<hbm>>) dst(%dma_wait3A_131 : memref<512x32xf32, #tpu.memory_space<vmem>>)
    %dma_wait3A_135 = arith.constant 0 : i32
    %dma_wait3A_136 = arith.constant 0 : i32
    %dma_wait3A_137 = arith.constant 0 : i32
    %dma_wait3A_138 = arith.constant 0 : i32
    %dma_wait3A_139 = tpu.memref_slice %arg7[%dma_wait3A_136, %dma_wait3A_137, %dma_wait3A_138] : memref<2x32x528xf32, #tpu.memory_space<vmem>> -> memref<1x32x528xf32, #tpu.memory_space<vmem>>
    %dma_wait3A_140 = tpu.memref_squeeze %dma_wait3A_139 : memref<1x32x528xf32, #tpu.memory_space<vmem>> -> memref<32x528xf32, #tpu.memory_space<vmem>>
    %dma_wait3A_141 = arith.constant 0 : i32
    %dma_wait3A_142 = arith.constant 0 : i32
    %dma_wait3A_143 = tpu.memref_slice %dma_wait3A_140[%dma_wait3A_141, %dma_wait3A_142] : memref<32x528xf32, #tpu.memory_space<vmem>> -> memref<32x512xf32, #tpu.memory_space<vmem>>
    %dma_wait3A_144 = arith.constant 0 : i32
    %dma_wait3A_145 = arith.constant 0 : i32
    %dma_wait3A_146 = tpu.memref_slice %arg4[%dma_wait3A_135, %dma_wait3A_144, %dma_wait3A_145] : memref<200x32x16384xf32, #tpu.memory_space<hbm>> -> memref<1x32x512xf32, #tpu.memory_space<hbm>>
    %dma_wait3A_147 = tpu.memref_squeeze %dma_wait3A_146 : memref<1x32x512xf32, #tpu.memory_space<hbm>> -> memref<32x512xf32, #tpu.memory_space<hbm>>
    %dma_wait3A_148 = arith.constant 0 : i32
    %dma_wait3A_149 = arith.constant 0 : i32
    %dma_wait3A_150 = tpu.memref_slice %arg7[%dma_wait3A_136, %dma_wait3A_148, %dma_wait3A_149] : memref<2x32x528xf32, #tpu.memory_space<vmem>> -> memref<1x32x528xf32, #tpu.memory_space<vmem>>
    %dma_wait3A_151 = tpu.memref_squeeze %dma_wait3A_150 : memref<1x32x528xf32, #tpu.memory_space<vmem>> -> memref<32x528xf32, #tpu.memory_space<vmem>>
    %dma_wait3A_152 = arith.constant 0 : i32
    %dma_wait3A_153 = arith.constant 0 : i32
    %dma_wait3A_154 = tpu.memref_slice %dma_wait3A_151[%dma_wait3A_152, %dma_wait3A_153] : memref<32x528xf32, #tpu.memory_space<vmem>> -> memref<32x512xf32, #tpu.memory_space<vmem>>
    %dma_wait3A_155 = arith.constant 0 : i32
    %dma_wait3A_156 = arith.constant 0 : i32
    %dma_wait3A_157 = tpu.memref_slice %arg4[%dma_wait3A_135, %dma_wait3A_155, %dma_wait3A_156] : memref<200x32x16384xf32, #tpu.memory_space<hbm>> -> memref<1x32x512xf32, #tpu.memory_space<hbm>>
    %dma_wait3A_158 = tpu.memref_squeeze %dma_wait3A_157 : memref<1x32x512xf32, #tpu.memory_space<hbm>> -> memref<32x512xf32, #tpu.memory_space<hbm>>
    tpu.wait_dma2 semaphore(%arg10 : memref<!tpu.dma_semaphore, #tpu.memory_space<semaphore_mem>>) src(%dma_wait3A_158 : memref<32x512xf32, #tpu.memory_space<hbm>>) dst(%dma_wait3A_154 : memref<32x512xf32, #tpu.memory_space<vmem>>)
    %dma_wait3A_159 = arith.constant 0 : i32
    %dma_wait3A_160 = arith.constant 1 : i32
    %dma_wait3A_161 = arith.constant 0 : i32
    %dma_wait3A_162 = arith.constant 0 : i32
    %dma_wait3A_163 = tpu.memref_slice %arg7[%dma_wait3A_160, %dma_wait3A_161, %dma_wait3A_162] : memref<2x32x528xf32, #tpu.memory_space<vmem>> -> memref<1x32x528xf32, #tpu.memory_space<vmem>>
    %dma_wait3A_164 = tpu.memref_squeeze %dma_wait3A_163 : memref<1x32x528xf32, #tpu.memory_space<vmem>> -> memref<32x528xf32, #tpu.memory_space<vmem>>
    %dma_wait3A_165 = arith.constant 0 : i32
    %dma_wait3A_166 = arith.constant 0 : i32
    %dma_wait3A_167 = tpu.memref_slice %dma_wait3A_164[%dma_wait3A_165, %dma_wait3A_166] : memref<32x528xf32, #tpu.memory_space<vmem>> -> memref<32x512xf32, #tpu.memory_space<vmem>>
    %dma_wait3A_168 = arith.constant 0 : i32
    %dma_wait3A_169 = arith.constant 0 : i32
    %dma_wait3A_170 = tpu.memref_slice %arg4[%dma_wait3A_159, %dma_wait3A_168, %dma_wait3A_169] : memref<200x32x16384xf32, #tpu.memory_space<hbm>> -> memref<1x32x512xf32, #tpu.memory_space<hbm>>
    %dma_wait3A_171 = tpu.memref_squeeze %dma_wait3A_170 : memref<1x32x512xf32, #tpu.memory_space<hbm>> -> memref<32x512xf32, #tpu.memory_space<hbm>>
    %dma_wait3A_172 = arith.constant 0 : i32
    %dma_wait3A_173 = arith.constant 0 : i32
    %dma_wait3A_174 = tpu.memref_slice %arg7[%dma_wait3A_160, %dma_wait3A_172, %dma_wait3A_173] : memref<2x32x528xf32, #tpu.memory_space<vmem>> -> memref<1x32x528xf32, #tpu.memory_space<vmem>>
    %dma_wait3A_175 = tpu.memref_squeeze %dma_wait3A_174 : memref<1x32x528xf32, #tpu.memory_space<vmem>> -> memref<32x528xf32, #tpu.memory_space<vmem>>
    %dma_wait3A_176 = arith.constant 0 : i32
    %dma_wait3A_177 = arith.constant 0 : i32
    %dma_wait3A_178 = tpu.memref_slice %dma_wait3A_175[%dma_wait3A_176, %dma_wait3A_177] : memref<32x528xf32, #tpu.memory_space<vmem>> -> memref<32x512xf32, #tpu.memory_space<vmem>>
    %dma_wait3A_179 = arith.constant 0 : i32
    %dma_wait3A_180 = arith.constant 0 : i32
    %dma_wait3A_181 = tpu.memref_slice %arg4[%dma_wait3A_159, %dma_wait3A_179, %dma_wait3A_180] : memref<200x32x16384xf32, #tpu.memory_space<hbm>> -> memref<1x32x512xf32, #tpu.memory_space<hbm>>
    %dma_wait3A_182 = tpu.memref_squeeze %dma_wait3A_181 : memref<1x32x512xf32, #tpu.memory_space<hbm>> -> memref<32x512xf32, #tpu.memory_space<hbm>>
    tpu.wait_dma2 semaphore(%arg11 : memref<!tpu.dma_semaphore, #tpu.memory_space<semaphore_mem>>) src(%dma_wait3A_182 : memref<32x512xf32, #tpu.memory_space<hbm>>) dst(%dma_wait3A_178 : memref<32x512xf32, #tpu.memory_space<vmem>>)
    return
  }
}

</mosaic_0001>

<sc_bundles>
// kernel: kernel.4.cloned.1.call-start
scs
__scs_entry_jumppad:
0x0: {  	(pc) =	sbr.rel $0x88, $3  }
0x1: {  	(tag) =	ssettag $0x0;
	lr =	simm.s32 $0x1  }
0x2: {  	[smem:$0x3F9F] =	sst lr;
	_ =	strace $0xD0000000  }
0x3: {  	_ = 	snop  }
0x4: {  	_ = 	snop  }
0x5: {  	_ = 	snop  }
0x6: {  	_ = 	snop  }
0x7: {  	_ = 	snop  }
__scs_overlays_trampoline_lowered:
0x8: {  	[smem:$0x3FAE] =	sst s0  }
0x9: {  	[smem:$0x3FAF] =	sst s1  }
0xa: {  	[smem:$0x3FB0] =	sst s2  }
0xb: {  	[smem:$0x3FB1] =	sst s3  }
0xc: {  	[smem:$0x3FB2] =	sst s4  }
0xd: {  	[smem:$0x3FB3] =	sst s5  }
0xe: {  	[smem:$0x3FB4] =	sst s6  }
0xf: {  	[smem:$0x3FB5] =	sst s7  }
0x10: {  	[smem:$0x3FB6] =	sst s8  }
0x11: {  	[smem:$0x3FB7] =	sst s9;
	s0 =	simm.s32 @!p0 $0x0  }
0x12: {  	s1 =	sld [smem:$0x3F9D];
	s0 =	simm.s32 @p0 $0x1  }
0x13: {  	[smem:$0x3FB8] =	sst s0;
	s0 =	simm.s32 @!p1 $0x0  }
0x14: {  	s2 =	sld [smem:$0x3F9C];
	s0 =	simm.s32 @p1 $0x1  }
0x15: {  	[smem:$0x3FB9] =	sst s0;
	s0 =	simm.s32 @!p2 $0x0  }
0x16: {  	s3 =	sld [smem:$0x3FDB];
	s0 =	simm.s32 @p2 $0x1  }
0x17: {  	s4 =	simm.s32 $0x1BF5;
	[smem:$0x3FBB] =	sst s0  }
0x18: {  	s0 =	sld [smem:$0x3F9E];
	_ =	swait.ge [sflag:s4], $0x0  }
0x19: {  	s7 =	sld [smem:$0x3F9F]  }
0x1a: {  	s8 =	sadd.s32 $0xFFFFE003, lr  }
0x1b: {  	s9 =	sadd.s32 $0xFFFFFEF7, lr;
	s5 =	simm.s32 $0xFFFFFFFF;
	p2 =	slt.u32 s8, $0xFFFFF086  }
0x1c: {  	p1 =	slt.u32 s9, $0xF7A;
	s5 =	simm.s32 @!p2 $0x0  }
0x1d: {  	s5 =	simm.s32 @p1 $0x1;
	p0 =	seq.s32 s7, s2  }
0x1e: {  	s7 =	smul.u32 @!p0 $0xF7A, s2;
	p2 =	seq.s32 @!p0 s5, $0x0  }
0x1f: {  	s9 =	smul.u32 $0xF7A, s1;
	s8 =	simm.s32 @!p0 $0x1BF5;
	p2 =	por !p2, p0  }
0x20: {  	[sflag:s8] =	ssyncset.s32 @!p0 $0xFFFFF086;
	s6 =	sadd.s32 @!p0 s3, s7;
	s7 =	simm.s32 @!p0 $0x108  }
0x21: {  	s3 =	sadd.s32 s3, s9;
	s6 =	sadd.s32 @!p0 $0x88, s6;
	s7 =	simm.s32 @p2 $0x1082  }
0x22: {  	[simem:s7], [sflag:s8] =	dma.local @!p0 [hbm:s6], $0xF7A  }
0x23: {  	s9 =	sor.u32 $0xD0000000, s2;
	s6 =	simm.s32 $0x108;
	_ =	swait.ge @!p0 [sflag:s8], $0x0  }
0x24: {  	s3 =	sadd.s32 $0x88, s3;
	s6 =	simm.s32 @!p1 $0x1082;
	[sflag:s4] =	ssyncset.s32 $0xFFFFF086  }
0x25: {  	[simem:s6], [sflag:s4] =	dma.local [hbm:s3], $0xF7A  }
0x26: {  	[smem:$0x3F9F] =	sst s1;
	(tag) =	ssettag s2;
	_ =	strace s9  }
0x27: {  	s1 =	sld [smem:$0x3FAF]  }
0x28: {  	s2 =	sld [smem:$0x3FB0]  }
0x29: {  	s4 =	sld [smem:$0x3FB2]  }
0x2a: {  	p0 =	seq.s32 s5, $0x0;
	s5 =	sld [smem:$0x3FB3]  }
0x2b: {  	s6 =	sld [smem:$0x3FB4]  }
0x2c: {  	s7 =	sld [smem:$0x3FB5]  }
0x2d: {  	s3 =	simm.s32 $0x108;
	s8 =	sld [smem:$0x3FB6]  }
0x2e: {  	s3 =	simm.s32 @!p0 $0x1082;
	s9 =	sld [smem:$0x3FB7]  }
0x2f: {  	lr =	sadd.s32 s0, s3;
	s0 =	sld [smem:$0x3FAE]  }
0x30: {  	s3 =	sld [smem:$0x3FB1]  }
0x31: {  	[smem:$0x3FBA] =	sst s10  }
0x32: {  	s10 =	sld [smem:$0x3FB8];
	_ =	sdelay $0x3  }
0x33: {  	p0 =	seq.s32 s10, $0x1;
	s10 =	sld [smem:$0x3FBA];
	_ =	sdelay $0x3  }
0x34: {  	[smem:$0x3FBA] =	sst s10  }
0x35: {  	s10 =	sld [smem:$0x3FB9];
	_ =	sdelay $0x3  }
0x36: {  	p1 =	seq.s32 s10, $0x1;
	s10 =	sld [smem:$0x3FBA];
	_ =	sdelay $0x3  }
0x37: {  	[smem:$0x3FBA] =	sst s10  }
0x38: {  	s10 =	sld [smem:$0x3FBB]  }
0x39: {  	_ = 	snop;
	(pc) =	sbr.ind lr, $3  }
0x3a: {  	_ = 	snop  }
0x3b: {  	_ = 	snop  }
0x3c: {  	p2 =	seq.s32 s10, $0x1;
	s10 =	sld [smem:$0x3FBA]  }
0x3d: {  	_ =	shalt  }
0x3e: {  	_ =	shalt  }
0x3f: {  	_ =	shalt  }
0x40: {  	_ =	shalt  }
0x41: {  	_ =	shalt  }
0x42: {  	_ =	shalt  }
0x43: {  	_ =	shalt  }
0x44: {  	_ =	shalt  }
0x45: {  	_ =	shalt  }
0x46: {  	_ =	shalt  }
0x47: {  	_ =	shalt  }
0x48: {  	_ =	shalt  }
0x49: {  	_ =	shalt  }
0x4a: {  	_ =	shalt  }
0x4b: {  	_ =	shalt  }
0x4c: {  	_ =	shalt  }
0x4d: {  	_ =	shalt  }
0x4e: {  	_ =	shalt  }
0x4f: {  	_ =	shalt  }
0x50: {  	_ =	shalt  }
0x51: {  	_ =	shalt  }
0x52: {  	_ =	shalt  }
0x53: {  	_ =	shalt  }
0x54: {  	_ =	shalt  }
0x55: {  	_ =	shalt  }
0x56: {  	_ =	shalt  }
0x57: {  	_ =	shalt  }
0x58: {  	_ =	shalt  }
0x59: {  	_ =	shalt  }
0x5a: {  	_ =	shalt  }
0x5b: {  	_ =	shalt  }
0x5c: {  	_ =	shalt  }
0x5d: {  	_ =	shalt  }
0x5e: {  	_ =	shalt  }
0x5f: {  	_ =	shalt  }
0x60: {  	_ =	shalt  }
0x61: {  	_ =	shalt  }
0x62: {  	_ =	shalt  }
0x63: {  	_ =	shalt  }
0x64: {  	_ =	shalt  }
0x65: {  	_ =	shalt  }
0x66: {  	_ =	shalt  }
0x67: {  	_ =	shalt  }
0x68: {  	_ =	shalt  }
0x69: {  	_ =	shalt  }
0x6a: {  	_ =	shalt  }
0x6b: {  	_ =	shalt  }
0x6c: {  	_ =	shalt  }
0x6d: {  	_ =	shalt  }
0x6e: {  	_ =	shalt  }
0x6f: {  	_ =	shalt  }
0x70: {  	_ =	shalt  }
0x71: {  	_ =	shalt  }
0x72: {  	_ =	shalt  }
0x73: {  	_ =	shalt  }
0x74: {  	_ =	shalt  }
0x75: {  	_ =	shalt  }
0x76: {  	_ =	shalt  }
0x77: {  	_ =	shalt  }
0x78: {  	_ =	shalt  }
0x79: {  	_ =	shalt  }
0x7a: {  	_ =	shalt  }
0x7b: {  	_ =	shalt  }
0x7c: {  	_ =	shalt  }
0x7d: {  	_ =	shalt  }
0x7e: {  	_ =	shalt  }
0x7f: {  	_ =	shalt  }
0x80: {  	_ =	shalt  }
0x81: {  	_ =	shalt  }
0x82: {  	_ =	shalt  }
0x83: {  	_ =	shalt  }
0x84: {  	_ =	shalt  }
0x85: {  	_ =	shalt  }
0x86: {  	_ =	shalt  }
0x87: {  	_ =	shalt  }
.Lfunc_end0:
.L_simem_size_0:
called_computation_lowered:
.L_overlay_start_0:
0x88: {  	s2 =	sld [smem:$0x3FD9]  }
0x89: {  	s3 =	sld [smem:$0x3FFE];
	_ =	sdelay $0x1  }
0x8a: {  	s1 =	srdreg.scid  }
0x8b: {  	s0 =	sand.u32 $0x1, s1  }
0x8c: {  	s18 =	sshll.u32 s0, $0xA;
	s2 =	sadd.s32 s3, s2  }
0x8d: {  	s2 =	sadd.s32 s2, s18  }
0x8e: {  	[smem:$0x3FC6] =	sst s2  }
0x8f: {  	_ = 	snop  }
0x90: {  	s2 =	sld [smem:$0x3FC8]  }
0x91: {  	s19 =	sld [smem:$0x3FD0];
	(tm) =	ssettm $0x1  }
0x92: {  	s4 =	sld [smem:$0x3FFB];
	_ =	sdelay $0x3  }
0x93: {  	_ =	strace s4  }
0x94: {  	s4 =	sld [smem:$0x3FFC];
	_ =	sdelay $0x3  }
0x95: {  	_ =	strace s4  }
0x96: {  	s4 =	sld [smem:$0x3FFD];
	_ =	sdelay $0x3  }
0x97: {  	_ =	strace s4  }
0x98: {  	_ =	strace $0x8FFFFFFF  }
0x99: {  	s20 =	sld [smem:$0x3FDB];
	_ =	sdelay $0x1  }
0x9a: {  	s5 =	simm.s32 $_scs_section_size  }
0x9b: {  	s6 =	simm.s32 $_size__tile_overlayer_lowered;
	s7 =	simm.s32 $_tile_overlayer_lowered  }
0x9c: {  	s23 =	simm.s32 $0x1BFF;
	s22 =	sshll.u32 s7, $0x1;
	s4 =	sadd.s32 s5, s20  }
0x9d: {  	s8 =	simm.s32 $0x0;
	s21 =	sshll.u32 s6, $0x1;
	s6 =	sadd.s32 s22, s4  }
0x9e: {  	[timem:s8], [sflag:s23] =	dma.local [hbm:s6], s21  }
0x9f: {  	_ =	swait.ge [sflag:s23], s21  }
0xa0: {  	s5 =	ssub.s32 $0x0, s21;
	[sflag:s23] =	ssyncset.done $0x0  }
0xa1: {  	[sflag:s23] =	ssyncadd.s32 s5;
	_ =	sdelay $0x1  }
0xa2: {  	s24 =	simm.s32 $0x1B8B  }
0xa3: {  	_ =	swait.ge [sflag:s24], $0x1  }
0xa4: {  	[sflag:s24] =	ssyncset.done $0x0  }
0xa5: {  	s25 =	simm.s32 $0x1B8E;
	[sflag:s24] =	ssyncadd.s32 $0xFFFFFFFF  }
0xa6: {  	s26 =	simm.s32 $execute0_lowered;
	[smem:$0x3FD2] =	sst s25  }
0xa7: {  	s5 =	sshll.u32 s26, $0x1;
	_ =	strace $0x80000046;
	[dreg:$0x1] =	wrdreg $0xFFFFFFFF  }
0xa8: {  	s28 =	simm.s32 $_size_execute0_lowered;
	s4 =	sadd.s32 s4, s5;
	[dreg:$0x0] =	wrdreg $0x0  }
0xa9: {  	s5 =	sshll.u32 s28, $0x1;
	[dreg:$0x2] =	wrdreg s4  }
0xaa: {  	[dreg:$0x3] =	wrdreg s5  }
0xab: {  	[dreg:$0x4] =	wrdreg $0xC0  }
0xac: {  	_ =	task [dreg:s8], $0x5FFFF  }
0xad: {  	[dreg:$0x1] =	wrdreg $0xFFFFFFFF  }
0xae: {  	[dreg:$0x0] =	wrdreg $0x60  }
0xaf: {  	[dreg:$0x2] =	wrdreg s2  }
0xb0: {  	[dreg:$0x3] =	wrdreg s19  }
0xb1: {  	[dreg:$0x4] =	wrdreg $0x9  }
0xb2: {  	_ =	task.clear_ibuf [dreg:s8], $0x5FFFF;
	_ =	strace $0x90000046  }
0xb3: {  	s29 =	simm.s32 $0x9;
	_ =	strace $0x80000048  }
0xb4: {  	_ =	swait.ge [sflag:s29], $0x1  }
0xb5: {  	[sflag:s29] =	ssyncadd.s32 $0xFFFFFFFF  }
0xb6: {  	_ =	strace $0x90000048  }
0xb7: {  	_ =	sfence  }
0xb8: {  	s30 =	sld [smem:$0x0];
	_ =	sdelay $0x2  }
0xb9: {  	s31 =	sshll.u32 s1, $0xD;
	s1 =	sshrl.u32 s1, $0x2  }
0xba: {  	s3 =	sand.u32 $0x4000, s31;
	s1 =	sadd.s32 s1, s30  }
0xbb: {  	s0 =	sor.u32 s3, s0;
	s1 =	sshll.u32 s1, $0x11  }
0xbc: {  	s0 =	sor.u32 s1, s0  }
0xbd: {  	s0 =	sadd.s32 $0x8F2B, s0  }
0xbe: {  	[sflag:s0] =	ssyncadd.remote.s32 $0x1  }
0xbf: {  	_ =	sfence.sel $0xFFFF  }
0xc0: {  	[dreg:$0x0] =	wrdreg $0xFFFFFFFF;
	(pc) =	sbr.abs _section_cstart, $3  }
0xc1: {  	[dreg:$0x1] =	wrdreg $0xFFFFFFFF  }
0xc2: {  	_ =	task.clear_ibuf [dreg:s8], $0x2FFFF;
	_ =	strace $0x9FFFFFFF  }
0xc3: {  	(tm) =	ssettm $0x7FFFFFFF  }
tec
execute0_lowered:
.L_overlay_start_1:
0x0: {  	(tag) =	ssettag $0x1  }
0x1: {  	s1 =	rddreg [dreg:$0x0]  }
0x2: {  	s2 =	rddreg [dreg:$0x1];
	s0 =	srdreg.scid;
	s4 =	simm.s32 $0x0  }
0x3: {  	s5 =	stileid.u32;
	s28 =	simm.s32 $0x3800;
	s29 =	simm.s32 $0x1  }
0x4: {  	v0 =	vimm.s32 $0xB80;
	vm0 =	vcmask $0x300;
	v1 =	vimm.s32 $0x1B80;
	s0 =	sand.u32 $0x1, s0;
	[smem:$0x7FF] =	sst s4;
	s5 =	sshll.u32 s5, $0x1  }
0x5: {  	vm1 =	vcmask $0x704;
	v0 =	vsel vm0, $0x0, v0;
	v1 =	vsel vm0, $0x1000, v1;
	s3 =	ssub.s32 $0x2, s0;
	_ =	strace $0x80000047;
	s5 =	sor.u32 s0, s5  }
0x6: {  	vm15 =	vcmask $0xB08;
	v0 =	vsel vm1, $0x80, v0;
	v1 =	vsel vm1, $0x1080, v1;
	s6 =	sshrl.u32 s3, $0x1;
	s16 =	sshll.u32 s5, $0x9;
	s17 =	sor.u32 $0x20, s5  }
0x7: {  	vm4 =	vcmask $0xF0C;
	v0 =	vsel vm15, $0x100, v0;
	v1 =	vsel vm15, $0x1100, v1;
	s18 =	sshll.u32 s5, $0x7;
	s15 =	ssub.s32 s3, s6;
	s3 =	sadd.s32 s2, s16  }
0x8: {  	vm5 =	vcmask $0x1310;
	v0 =	vsel vm4, $0x180, v0;
	v1 =	vsel vm4, $0x1180, v1;
	s7 =	sshll.u32 s17, $0x9;
	s8 =	sadd.s32 s1, s18;
	[dreg:$0x3] =	wrdreg s3  }
0x9: {  	vm6 =	vcmask $0x1714;
	s30 =	simm.s32 $0x3;
	v0 =	vsel vm5, $0x200, v0;
	v1 =	vsel vm5, $0x1200, v1;
	s19 =	sadd.s32 s2, s7;
	[dreg:$0x4] =	wrdreg s8  }
0xa: {  	vm7 =	vcmask $0x1B18;
	s31 =	simm.s32 $0x2;
	s0 =	smax.u32 s15, $0x1;
	v0 =	vsel vm6, $0x280, v0;
	v1 =	vsel vm6, $0x1280, v1;
	[dreg:$0x5] =	wrdreg s19  }
0xb: {  	vm8 =	vcmask $0x1F1C;
	s10 =	sor.u32 $0x40, s5;
	s21 =	sadd.s32 $0x1E8500, s8;
	[dreg:$0x7] =	wrdreg s0;
	v0 =	vsel vm7, $0x300, v0;
	v1 =	vsel vm7, $0x1300, v1  }
0xc: {  	vm9 =	vcmask $0x2320;
	s11 =	sor.u32 $0x60, s5;
	s23 =	sadd.s32 $0xF4280, s8;
	[dreg:$0x8] =	wrdreg s21;
	v0 =	vsel vm8, $0x380, v0;
	v1 =	vsel vm8, $0x1380, v1  }
0xd: {  	vm10 =	vcmask $0x2724;
	s20 =	sshll.u32 s17, $0x7;
	s24 =	sadd.s32 $0x2DC780, s8;
	[dreg:$0xa] =	wrdreg s23;
	v0 =	vsel vm9, $0x800, v0;
	v1 =	vsel vm9, $0x1800, v1  }
0xe: {  	vm11 =	vcmask $0x2B28;
	s6 =	simm.s32 $0x0;
	s3 =	sadd.s32 s1, s20;
	[dreg:$0xb] =	wrdreg s24;
	v0 =	vsel vm10, $0x880, v0;
	v1 =	vsel vm10, $0x1880, v1  }
0xf: {  	vm12 =	vcmask $0x2F2C;
	s20 =	simm.s32 $0x7;
	s22 =	sadd.s32 $0x1E8500, s3;
	[dreg:$0x6] =	wrdreg s3;
	v0 =	vsel vm11, $0x900, v0;
	v1 =	vsel vm11, $0x1900, v1  }
0x10: {  	vm13 =	vcmask $0x3330;
	s25 =	sadd.s32 $0x2DC780, s3;
	s26 =	sadd.s32 $0xF4280, s3;
	[dreg:$0x9] =	wrdreg s22;
	v0 =	vsel vm12, $0x980, v0;
	v1 =	vsel vm12, $0x1980, v1  }
0x11: {  	vm14 =	vcmask $0x3734;
	s23 =	simm.s32 $0x5000;
	s24 =	simm.s32 $0x2000;
	[dreg:$0xc] =	wrdreg s25;
	v0 =	vsel vm13, $0xA00, v0;
	v1 =	vsel vm13, $0x1A00, v1  }
0x12: {  	vm15 =	vcmask $0x3B38;
	s0 =	simm.s32 $0x4;
	s21 =	simm.s32 $0xB;
	[dreg:$0xd] =	wrdreg s26;
	v0 =	vsel vm14, $0xA80, v0;
	v1 =	vsel vm14, $0x1A80, v1  }
0x13: {  	s22 =	simm.s32 $0x1800;
	s25 =	simm.s32 $0x2800;
	s26 =	simm.s32 $0x3000;
	v0 =	vsel vm15, $0xB00, v0;
	v1 =	vsel vm15, $0x1B00, v1  }
.LBB2_1:
0x14: {  	[dreg:$0xe] =	wrdreg s6  }
0x15: {  	s3 =	rddreg [dreg:$0x3];
	s19 =	simm.s32 $0x4000  }
0x16: {  	[hbm4b:s3+s4] =	stream.linear.scatter [tilespmem:s19], [sflag:$0x3], $0x1000, $0x38;
	[tilespmem:$0x6000] =	vst v63  }
0x17: {  	s7 =	rddreg [dreg:$0x4]  }
0x18: {  	[tilespmem:s4], [sflag:$0x1] =	stream.linear.gather [hbm4b:s7+s4], $0x400, $0x38;
	[tilespmem:$0x6000] =	vst v63  }
0x19: {  	s8 =	rddreg [dreg:$0xa];
	s9 =	simm.s32 $0x800  }
0x1a: {  	[tilespmem:s9], [sflag:$0x1] =	stream.linear.gather [hbm4b:s8+s4], $0x400, $0x38;
	[tilespmem:$0x6000] =	vst v63  }
0x1b: {  	s12 =	rddreg [dreg:$0x8];
	s13 =	simm.s32 $0x1000  }
0x1c: {  	[tilespmem:s13], [sflag:$0x1] =	stream.linear.gather [hbm4b:s12+s4], $0x400, $0x38;
	[tilespmem:$0x6000] =	vst v63  }
0x1d: {  	s14 =	rddreg [dreg:$0xb]  }
0x1e: {  	[tilespmem:s22], [sflag:$0x1] =	stream.linear.gather [hbm4b:s14+s4], $0x400, $0x38;
	[tilespmem:$0x6000] =	vst v63  }
0x1f: {  	s15 =	rddreg [dreg:$0x5]  }
0x20: {  	[hbm4b:s15+s4] =	stream.linear.scatter [tilespmem:s23], [sflag:$0x4], $0x1000, $0x38;
	[tilespmem:$0x6000] =	vst v63  }
0x21: {  	s16 =	rddreg [dreg:$0x6]  }
0x22: {  	[tilespmem:s24], [sflag:$0x2] =	stream.linear.gather [hbm4b:s16+s4], $0x400, $0x38;
	[tilespmem:$0x6000] =	vst v63  }
0x23: {  	s17 =	rddreg [dreg:$0xd]  }
0x24: {  	[tilespmem:s25], [sflag:$0x2] =	stream.linear.gather [hbm4b:s17+s4], $0x400, $0x38;
	[tilespmem:$0x6000] =	vst v63  }
0x25: {  	s18 =	rddreg [dreg:$0x9]  }
0x26: {  	[tilespmem:s26], [sflag:$0x2] =	stream.linear.gather [hbm4b:s18+s4], $0x400, $0x38;
	[tilespmem:$0x6000] =	vst v63  }
0x27: {  	s6 =	simm.s32 $0x0;
	s19 =	rddreg [dreg:$0xc]  }
0x28: {  	[tilespmem:s28], [sflag:$0x2] =	stream.linear.gather [hbm4b:s19+s4], $0x400, $0x38;
	[tilespmem:$0x6000] =	vst v63  }
.LBB2_2:
0x29: {  	_ =	swait.ge [sflag:s29], $0x1000;
	s3 =	simm.s32 $0x0  }
0x2a: {  	s7 =	simm.s32 $0x3;
	[sflag:s29] =	ssyncset.done $0x0;
	v2 =	vor.u32 s3, v0  }
0x2b: {  	s8 =	simm.s32 $0x1;
	v3 =	vor.u32 s7, v0;
	[sflag:s29] =	ssyncadd.s32 $0xFFFFF000  }
0x2c: {  	s9 =	simm.s32 $0x2;
	v4 =	vor.u32 s8, v0;
	_ =	swait.ge [sflag:s30], $0x1000  }
0x2d: {  	s17 =	simm.s32 $0x4;
	v5 =	vor.u32 s9, v0;
	[sflag:s30] =	ssyncset.done $0x0  }
0x2e: {  	s15 =	simm.s32 $0x5;
	v6 =	vor.u32 s17, v0;
	[sflag:s30] =	ssyncadd.s32 $0xFFFFF000  }
0x2f: {  	s16 =	simm.s32 $0x6;
	v7 =	vor.u32 s15, v0;
	v2 =	vld.idx.msk [tilespmem:v2+s4+$0x0], $0xffff  }
0x30: {  	s18 =	simm.s32 $0x7;
	v8 =	vor.u32 s16, v0;
	v3 =	vld.idx.msk [tilespmem:v3+s4+$0x0], $0xffff  }
0x31: {  	v10 =	vor.u32 s18, v0;
	v4 =	vld.idx.msk [tilespmem:v4+s4+$0x0], $0xffff  }
0x32: {  	v9 =	vor.u32 s7, v1;
	v5 =	vld.idx.msk [tilespmem:v5+s4+$0x0], $0xffff  }
0x33: {  	v11 =	vld.idx.msk [tilespmem:v6+s4+$0x0], $0xffff;
	v6 =	vor.u32 s8, v1  }
0x34: {  	v12 =	vor.u32 s9, v1;
	v7 =	vld.idx.msk [tilespmem:v7+s4+$0x0], $0xffff  }
0x35: {  	s12 =	simm.s32 $0x4040;
	s8 =	simm.s32 $0x8;
	v15 =	vld.idx.msk [tilespmem:v8+s4+$0x0], $0xffff;
	v8 =	vor.u32 s3, v1  }
0x36: {  	s13 =	simm.s32 $0x9;
	v10 =	vld.idx.msk [tilespmem:v10+s4+$0x0], $0xffff;
	[tilespmem:s12+$0x20] =	vst v3;
	v3 =	vor.u32 s8, v0  }
0x37: {  	s14 =	simm.s32 $0xA;
	[tilespmem:s12+$0xFFFFFFE0] =	vst v4;
	v4 =	vor.u32 s13, v0;
	v9 =	vld.idx.msk [tilespmem:v9+s4+$0x0], $0xffff  }
0x38: {  	[tilespmem:s12+$0x0] =	vst v5;
	v5 =	vor.u32 s14, v0;
	v16 =	vld.idx.msk [tilespmem:v6+s4+$0x0], $0xffff  }
0x39: {  	s19 =	simm.s32 $0xB;
	[tilespmem:s12+$0xFFFFFFC0] =	vst v2;
	v6 =	vor.u32 s18, v1;
	v13 =	vld.idx.msk [tilespmem:v12+s4+$0x0], $0xffff  }
0x3a: {  	v17 =	vor.u32 s19, v0;
	v14 =	vld.idx.msk [tilespmem:v8+s4+$0x0], $0xffff  }
0x3b: {  	v19 =	vor.u32 s16, v1;
	s16 =	simm.s32 $0x40C0;
	v2 =	vld.idx.msk [tilespmem:v3+s4+$0x0], $0xffff  }
0x3c: {  	v18 =	vor.u32 s15, v1;
	[tilespmem:s16+$0x20] =	vst v10;
	v3 =	vld.idx.msk [tilespmem:v4+s4+$0x0], $0xffff  }
0x3d: {  	s15 =	simm.s32 $0xC;
	[tilespmem:s16+$0xFFFFFFE0] =	vst v7;
	v12 =	vor.u32 s17, v1;
	v4 =	vld.idx.msk [tilespmem:v5+s4+$0x0], $0xffff  }
0x3e: {  	s7 =	simm.s32 $0xD;
	[tilespmem:s16+$0x0] =	vst v15;
	v8 =	vld.idx.msk [tilespmem:v6+s4+$0x0], $0xffff;
	v6 =	vor.u32 s15, v0  }
0x3f: {  	s9 =	simm.s32 $0xE;
	v10 =	vld.idx.msk [tilespmem:v17+s4+$0x0], $0xffff;
	[tilespmem:s12+$0x30] =	vst v9;
	v9 =	vor.u32 s7, v0  }
0x40: {  	[tilespmem:s16+$0xFFFFFFC0] =	vst v11;
	v11 =	vor.u32 s9, v0;
	v7 =	vld.idx.msk [tilespmem:v19+s4+$0x0], $0xffff  }
0x41: {  	s3 =	simm.s32 $0x10;
	v15 =	vor.u32 s19, v1;
	s17 =	simm.s32 $0xF;
	v5 =	vld.idx.msk [tilespmem:v18+s4+$0x0], $0xffff;
	[tilespmem:s12+$0xFFFFFFF0] =	vst v16  }
.LBB2_3:
0x42: {  	p0 =	slt.u32 s3, $0x7C;
	v16 =	vor.u32 s17, v0;
	v17 =	vld.idx.msk [tilespmem:v12+s4+$0x0], $0xffff;
	[tilespmem:s12+$0x10] =	vst v13;
	v13 =	vmov v3  }
0x43: {  	v19 =	vor.u32 s13, v1;
	s13 =	smov.u32 s7;
	v18 =	vld.idx.msk [tilespmem:v6+s4+$0x0], $0xffff;
	[tilespmem:s12+$0xFFFFFFD0] =	vst v14;
	v14 =	vmov v4;
	s12 =	smov.u32 s16  }
0x44: {  	v20 =	vor.u32 s14, v1;
	s14 =	smov.u32 s9;
	s16 =	sadd.s32 $0x80, s16;
	v3 =	vld.idx.msk [tilespmem:v9+s4+$0x0], $0xffff;
	[tilespmem:s12+$0x30] =	vst v8  }
.Ltmp0:
0x45: {  	v12 =	vor.u32 s8, v1;
	s8 =	smov.u32 s15;
	s15 =	smov.u32 s3;
	v4 =	vld.idx.msk [tilespmem:v11+s4+$0x0], $0xffff;
	[tilespmem:s16+$0x20] =	vst v10;
	(pc) =	sbr.rel @p0 .LBB2_3-.Ltmp0, $4  }
0x46: {  	s7 =	sadd.s32 $0x1, s3;
	v6 =	vor.u32 s3, v0;
	v21 =	vmov v5;
	[tilespmem:s16+$0xFFFFFFE0] =	vst v13;
	v8 =	vld.idx.msk [tilespmem:v15+s4+$0x0], $0xffff  }
0x47: {  	s9 =	sadd.s32 $0x2, s3;
	v9 =	vor.u32 s7, v0;
	v13 =	vmov v7;
	v10 =	vld.idx.msk [tilespmem:v16+s4+$0x0], $0xffff;
	[tilespmem:s16+$0x0] =	vst v14  }
0x48: {  	v11 =	vor.u32 s9, v0;
	v14 =	vmov v17;
	[tilespmem:s16+$0xFFFFFFC0] =	vst v2;
	v5 =	vld.idx.msk [tilespmem:v19+s4+$0x0], $0xffff  }
0x49: {  	s3 =	sadd.s32 $0x4, s3;
	v15 =	vor.u32 s17, v1;
	s17 =	sadd.s32 $0x3, s15;
	v2 =	vmov v18;
	v7 =	vld.idx.msk [tilespmem:v20+s4+$0x0], $0xffff;
	[tilespmem:s12+$0xFFFFFFF0] =	vst v21  }
0x4a: {  	[tilespmem:s12+$0x10] =	vst v13  }
0x4b: {  	[tilespmem:s12+$0xFFFFFFD0] =	vst v14  }
0x4c: {  	s3 =	sadd.s32 $0x80, s16;
	[tilespmem:s16+$0x30] =	vst v8  }
0x4d: {  	v13 =	vor.u32 s17, v0;
	[tilespmem:s3+$0xFFFFFFE0] =	vst v3  }
0x4e: {  	v8 =	vld.idx.msk [tilespmem:v12+s4+$0x0], $0xffff;
	[tilespmem:s3+$0xFFFFFFC0] =	vst v2  }
0x4f: {  	v3 =	vor.u32 s13, v1;
	v2 =	vld.idx.msk [tilespmem:v9+s4+$0x0], $0xffff;
	[tilespmem:s3+$0x20] =	vst v10  }
0x50: {  	[tilespmem:s3+$0x0] =	vst v4;
	v4 =	vor.u32 s14, v1;
	v10 =	vld.idx.msk [tilespmem:v15+s4+$0x0], $0xffff  }
0x51: {  	v9 =	vor.u32 s8, v1;
	[tilespmem:s16+$0xFFFFFFF0] =	vst v5;
	v5 =	vld.idx.msk [tilespmem:v11+s4+$0x0], $0xffff  }
0x52: {  	[tilespmem:s16+$0x10] =	vst v7;
	v7 =	vor.u32 s7, v1;
	v12 =	vld.idx.msk [tilespmem:v13+s4+$0x0], $0xffff  }
0x53: {  	v6 =	vld.idx.msk [tilespmem:v6+s4+$0x0], $0xffff;
	v11 =	vor.u32 s17, v1;
	[tilespmem:s16+$0xFFFFFFD0] =	vst v8;
	v8 =	vor.u32 s9, v1;
	s9 =	sadd.s32 $0x80, s3  }
0x54: {  	v3 =	vld.idx.msk [tilespmem:v3+s4+$0x0], $0xffff;
	[tilespmem:s9+$0xFFFFFFE0] =	vst v2  }
0x55: {  	v4 =	vld.idx.msk [tilespmem:v4+s4+$0x0], $0xffff;
	[tilespmem:s3+$0x30] =	vst v10;
	v10 =	vor.u32 s15, v1  }
0x56: {  	v9 =	vld.idx.msk [tilespmem:v9+s4+$0x0], $0xffff;
	[tilespmem:s9+$0x0] =	vst v5  }
0x57: {  	v5 =	vld.idx.msk [tilespmem:v7+s4+$0x0], $0xffff;
	[tilespmem:s9+$0x20] =	vst v12  }
0x58: {  	[tilespmem:s9+$0xFFFFFFC0] =	vst v6;
	v2 =	vld.idx.msk [tilespmem:v11+s4+$0x0], $0xffff  }
0x59: {  	v6 =	vld.idx.msk [tilespmem:v8+s4+$0x0], $0xffff;
	[tilespmem:s3+$0xFFFFFFF0] =	vst v3  }
0x5a: {  	[tilespmem:s3+$0x10] =	vst v4;
	v3 =	vld.idx.msk [tilespmem:v10+s4+$0x0], $0xffff  }
0x5b: {  	s8 =	sshll.u32 s6, $0x6;
	[tilespmem:s3+$0xFFFFFFD0] =	vst v9  }
0x5c: {  	s12 =	sor.u32 s5, s8;
	[tilespmem:s9+$0xFFFFFFF0] =	vst v5  }
0x5d: {  	s13 =	smin.u32 s12, $0x1E83;
	[tilespmem:s9+$0x30] =	vst v2  }
0x5e: {  	s14 =	simm.s32 $0x4000;
	s3 =	sshll.u32 s13, $0x9;
	[tilespmem:s9+$0x10] =	vst v6  }
0x5f: {  	s7 =	simm.s32 $0x0;
	s15 =	sadd.s32 s10, s8;
	s3 =	sadd.s32 s2, s3;
	[tilespmem:s9+$0xFFFFFFD0] =	vst v3  }
0x60: {  	[hbm4b:s3+s7] =	stream.linear.scatter [tilespmem:s14], [sflag:$0x3], $0x1000, $0x38;
	[tilespmem:$0x6000] =	vst v63  }
0x61: {  	s3 =	smin.u32 s15, $0x1E83  }
0x62: {  	s3 =	sshll.u32 s3, $0x7  }
0x63: {  	s3 =	sadd.s32 s1, s3  }
0x64: {  	[tilespmem:s7], [sflag:$0x1] =	stream.linear.gather [hbm4b:s3+s7], $0x400, $0x38;
	[tilespmem:$0x6000] =	vst v63  }
0x65: {  	s17 =	simm.s32 $0x800;
	s16 =	sadd.s32 $0xF4280, s3  }
0x66: {  	[tilespmem:s17], [sflag:$0x1] =	stream.linear.gather [hbm4b:s16+s7], $0x400, $0x38;
	[tilespmem:$0x6000] =	vst v63  }
0x67: {  	s19 =	simm.s32 $0x1000;
	s18 =	sadd.s32 $0x1E8500, s3  }
0x68: {  	[tilespmem:s19], [sflag:$0x1] =	stream.linear.gather [hbm4b:s18+s7], $0x400, $0x38;
	[tilespmem:$0x6000] =	vst v63  }
0x69: {  	s3 =	sadd.s32 $0x2DC780, s3  }
0x6a: {  	[tilespmem:s22], [sflag:$0x1] =	stream.linear.gather [hbm4b:s3+s7], $0x400, $0x38;
	[tilespmem:$0x6000] =	vst v63  }
0x6b: {  	_ =	swait.ge [sflag:s31], $0x1000  }
0x6c: {  	v2 =	vor.u32 s7, v0;
	s14 =	simm.s32 $0x3;
	[sflag:s31] =	ssyncset.done $0x0  }
0x6d: {  	s15 =	simm.s32 $0x1;
	v3 =	vor.u32 s14, v0;
	[sflag:s31] =	ssyncadd.s32 $0xFFFFF000  }
0x6e: {  	v4 =	vor.u32 s15, v0;
	s16 =	simm.s32 $0x2;
	_ =	swait.ge [sflag:s0], $0x1000  }
0x6f: {  	v5 =	vor.u32 s16, v0;
	s19 =	simm.s32 $0x4;
	[sflag:s0] =	ssyncset.done $0x0  }
0x70: {  	s17 =	simm.s32 $0x5;
	v6 =	vor.u32 s19, v0;
	[sflag:s0] =	ssyncadd.s32 $0xFFFFF000  }
0x71: {  	v7 =	vor.u32 s17, v0;
	s18 =	simm.s32 $0x6;
	v2 =	vld.idx.msk [tilespmem:v2+s24+$0x0], $0xffff  }
0x72: {  	v8 =	vor.u32 s18, v0;
	v3 =	vld.idx.msk [tilespmem:v3+s24+$0x0], $0xffff  }
0x73: {  	v10 =	vor.u32 s20, v0;
	v4 =	vld.idx.msk [tilespmem:v4+s24+$0x0], $0xffff  }
0x74: {  	v9 =	vor.u32 s14, v1;
	v5 =	vld.idx.msk [tilespmem:v5+s24+$0x0], $0xffff  }
0x75: {  	v11 =	vld.idx.msk [tilespmem:v6+s24+$0x0], $0xffff;
	v6 =	vor.u32 s15, v1  }
0x76: {  	v12 =	vor.u32 s16, v1;
	v7 =	vld.idx.msk [tilespmem:v7+s24+$0x0], $0xffff  }
0x77: {  	s13 =	simm.s32 $0x8;
	s14 =	simm.s32 $0x5070;
	v15 =	vld.idx.msk [tilespmem:v8+s24+$0x0], $0xffff;
	v8 =	vor.u32 s7, v1  }
0x78: {  	s15 =	simm.s32 $0x9;
	v10 =	vld.idx.msk [tilespmem:v10+s24+$0x0], $0xffff;
	[tilespmem:s14+$0xFFFFFFF0] =	vst v3;
	v3 =	vor.u32 s13, v0  }
0x79: {  	s16 =	simm.s32 $0xA;
	[tilespmem:s14+$0xFFFFFFB0] =	vst v4;
	v4 =	vor.u32 s15, v0;
	v9 =	vld.idx.msk [tilespmem:v9+s24+$0x0], $0xffff  }
0x7a: {  	[tilespmem:s14+$0xFFFFFFD0] =	vst v5;
	v5 =	vor.u32 s16, v0;
	v16 =	vld.idx.msk [tilespmem:v6+s24+$0x0], $0xffff  }
0x7b: {  	[tilespmem:s14+$0xFFFFFF90] =	vst v2;
	v6 =	vor.u32 s20, v1;
	v13 =	vld.idx.msk [tilespmem:v12+s24+$0x0], $0xffff  }
0x7c: {  	v17 =	vor.u32 s21, v0;
	v14 =	vld.idx.msk [tilespmem:v8+s24+$0x0], $0xffff  }
0x7d: {  	v19 =	vor.u32 s18, v1;
	s18 =	simm.s32 $0x50F0;
	v2 =	vld.idx.msk [tilespmem:v3+s24+$0x0], $0xffff  }
0x7e: {  	v18 =	vor.u32 s17, v1;
	[tilespmem:s18+$0xFFFFFFF0] =	vst v10;
	v3 =	vld.idx.msk [tilespmem:v4+s24+$0x0], $0xffff  }
0x7f: {  	s17 =	simm.s32 $0xC;
	[tilespmem:s18+$0xFFFFFFB0] =	vst v7;
	v12 =	vor.u32 s19, v1;
	v4 =	vld.idx.msk [tilespmem:v5+s24+$0x0], $0xffff  }
0x80: {  	s9 =	simm.s32 $0xD;
	[tilespmem:s18+$0xFFFFFFD0] =	vst v15;
	v8 =	vld.idx.msk [tilespmem:v6+s24+$0x0], $0xffff;
	v6 =	vor.u32 s17, v0  }
0x81: {  	s3 =	simm.s32 $0xE;
	v10 =	vld.idx.msk [tilespmem:v17+s24+$0x0], $0xffff;
	[tilespmem:s14+$0x0] =	vst v9;
	v9 =	vor.u32 s9, v0  }
0x82: {  	[tilespmem:s18+$0xFFFFFF90] =	vst v11;
	v11 =	vor.u32 s3, v0;
	v7 =	vld.idx.msk [tilespmem:v19+s24+$0x0], $0xffff  }
0x83: {  	s7 =	simm.s32 $0xF;
	v15 =	vor.u32 s21, v1;
	s19 =	simm.s32 $0x10;
	v5 =	vld.idx.msk [tilespmem:v18+s24+$0x0], $0xffff;
	[tilespmem:s14+$0xFFFFFFC0] =	vst v16  }
.LBB2_5:
0x84: {  	p0 =	slt.u32 s19, $0x7C;
	v16 =	vor.u32 s7, v0;
	v17 =	vld.idx.msk [tilespmem:v12+s24+$0x0], $0xffff;
	[tilespmem:s14+$0xFFFFFFE0] =	vst v13;
	v13 =	vmov v3  }
0x85: {  	v19 =	vor.u32 s15, v1;
	s15 =	smov.u32 s9;
	v18 =	vld.idx.msk [tilespmem:v6+s24+$0x0], $0xffff;
	[tilespmem:s14+$0xFFFFFFA0] =	vst v14;
	v14 =	vmov v4;
	s14 =	smov.u32 s18  }
0x86: {  	v20 =	vor.u32 s16, v1;
	s16 =	smov.u32 s3;
	s18 =	sadd.s32 $0x80, s18;
	v3 =	vld.idx.msk [tilespmem:v9+s24+$0x0], $0xffff;
	[tilespmem:s14+$0x0] =	vst v8  }
.Ltmp1:
0x87: {  	v12 =	vor.u32 s13, v1;
	s13 =	smov.u32 s17;
	s17 =	smov.u32 s19;
	v4 =	vld.idx.msk [tilespmem:v11+s24+$0x0], $0xffff;
	[tilespmem:s18+$0xFFFFFFF0] =	vst v10;
	(pc) =	sbr.rel @p0 .LBB2_5-.Ltmp1, $4  }
0x88: {  	s9 =	sadd.s32 $0x1, s19;
	v6 =	vor.u32 s19, v0;
	v21 =	vmov v5;
	[tilespmem:s18+$0xFFFFFFB0] =	vst v13;
	v8 =	vld.idx.msk [tilespmem:v15+s24+$0x0], $0xffff  }
0x89: {  	s3 =	sadd.s32 $0x2, s19;
	v9 =	vor.u32 s9, v0;
	v13 =	vmov v7;
	v10 =	vld.idx.msk [tilespmem:v16+s24+$0x0], $0xffff;
	[tilespmem:s18+$0xFFFFFFD0] =	vst v14  }
0x8a: {  	v11 =	vor.u32 s3, v0;
	v14 =	vmov v17;
	[tilespmem:s18+$0xFFFFFF90] =	vst v2;
	v5 =	vld.idx.msk [tilespmem:v19+s24+$0x0], $0xffff  }
0x8b: {  	s19 =	sadd.s32 $0x4, s19;
	v15 =	vor.u32 s7, v1;
	s7 =	sadd.s32 $0x3, s17;
	v2 =	vmov v18;
	v7 =	vld.idx.msk [tilespmem:v20+s24+$0x0], $0xffff;
	[tilespmem:s14+$0xFFFFFFC0] =	vst v21  }
0x8c: {  	[tilespmem:s14+$0xFFFFFFE0] =	vst v13  }
0x8d: {  	[tilespmem:s14+$0xFFFFFFA0] =	vst v14  }
0x8e: {  	s19 =	sadd.s32 $0x80, s18;
	[tilespmem:s18+$0x0] =	vst v8  }
0x8f: {  	[tilespmem:s19+$0xFFFFFFB0] =	vst v3  }
0x90: {  	v52 =	vor.u32 s7, v0;
	v53 =	vld.idx.msk [tilespmem:v12+s24+$0x0], $0xffff;
	[tilespmem:s19+$0xFFFFFFD0] =	vst v4  }
0x91: {  	v54 =	vor.u32 s16, v1;
	v57 =	vld.idx.msk [tilespmem:v11+s24+$0x0], $0xffff;
	[tilespmem:s19+$0xFFFFFF90] =	vst v2  }
0x92: {  	v6 =	vld.idx.msk [tilespmem:v6+s24+$0x0], $0xffff;
	v3 =	vor.u32 s15, v1;
	[tilespmem:s19+$0xFFFFFFF0] =	vst v10  }
0x93: {  	v56 =	vor.u32 s13, v1;
	v2 =	vld.idx.msk [tilespmem:v9+s24+$0x0], $0xffff;
	[tilespmem:s18+$0xFFFFFFC0] =	vst v5  }
0x94: {  	v60 =	vor.u32 s3, v1;
	v10 =	vld.idx.msk [tilespmem:v15+s24+$0x0], $0xffff;
	[tilespmem:s18+$0xFFFFFFE0] =	vst v7  }
0x95: {  	v59 =	vor.u32 s9, v1;
	s13 =	sadd.s32 $0x80, s19;
	v55 =	vld.idx.msk [tilespmem:v52+s24+$0x0], $0xffff;
	[tilespmem:s18+$0xFFFFFFA0] =	vst v53  }
0x96: {  	v58 =	vor.u32 s7, v1;
	v4 =	vld.idx.msk [tilespmem:v54+s24+$0x0], $0xffff;
	[tilespmem:s13+$0xFFFFFFD0] =	vst v57  }
0x97: {  	v61 =	vor.u32 s17, v1;
	[tilespmem:s13+$0xFFFFFF90] =	vst v6;
	v3 =	vld.idx.msk [tilespmem:v3+s24+$0x0], $0xffff  }
0x98: {  	v9 =	vld.idx.msk [tilespmem:v56+s24+$0x0], $0xffff;
	[tilespmem:s13+$0xFFFFFFB0] =	vst v2  }
0x99: {  	v63 =	vld.idx.msk [tilespmem:v60+s24+$0x0], $0xffff;
	[tilespmem:s19+$0x0] =	vst v10  }
0x9a: {  	v62 =	vld.idx.msk [tilespmem:v59+s24+$0x0], $0xffff;
	[tilespmem:s13+$0xFFFFFFF0] =	vst v55  }
0x9b: {  	[tilespmem:s19+$0xFFFFFFE0] =	vst v4;
	v2 =	vld.idx.msk [tilespmem:v58+s24+$0x0], $0xffff  }
0x9c: {  	[tilespmem:s19+$0xFFFFFFC0] =	vst v3;
	v3 =	vld.idx.msk [tilespmem:v61+s24+$0x0], $0xffff  }
0x9d: {  	[tilespmem:s19+$0xFFFFFFA0] =	vst v9  }
0x9e: {  	s15 =	sor.u32 $0x20, s12;
	[tilespmem:s13+$0xFFFFFFE0] =	vst v63  }
0x9f: {  	s17 =	sadd.s32 s11, s8;
	s7 =	smin.u32 s15, $0x1E83;
	[tilespmem:s13+$0xFFFFFFC0] =	vst v62  }
0xa0: {  	s3 =	smin.u32 s17, $0x1E83;
	s7 =	sshll.u32 s7, $0x9;
	[tilespmem:s13+$0x0] =	vst v2  }
0xa1: {  	s3 =	sshll.u32 s3, $0x7;
	s16 =	sadd.s32 s2, s7;
	[tilespmem:s13+$0xFFFFFFA0] =	vst v3  }
0xa2: {  	[hbm4b:s16+s4] =	stream.linear.scatter [tilespmem:s23], [sflag:$0x4], $0x1000, $0x38;
	[tilespmem:$0x6000] =	vst v63  }
0xa3: {  	s6 =	sadd.s32 $0x1, s6;
	s3 =	sadd.s32 s1, s3  }
0xa4: {  	[tilespmem:s24], [sflag:$0x2] =	stream.linear.gather [hbm4b:s3+s4], $0x400, $0x38;
	[tilespmem:$0x6000] =	vst v63  }
0xa5: {  	p0 =	sne.s32 s6, $0x7B;
	s18 =	sadd.s32 $0xF4280, s3  }
0xa6: {  	[tilespmem:s25], [sflag:$0x2] =	stream.linear.gather [hbm4b:s18+s4], $0x400, $0x38;
	[tilespmem:$0x6000] =	vst v63  }
.Ltmp2:
0xa7: {  	_ = 	snop;
	(pc) =	sbr.rel @p0 .LBB2_2-.Ltmp2, $4  }
0xa8: {  	s19 =	sadd.s32 $0x1E8500, s3  }
0xa9: {  	[tilespmem:s26], [sflag:$0x2] =	stream.linear.gather [hbm4b:s19+s4], $0x400, $0x38;
	[tilespmem:$0x6000] =	vst v63  }
0xaa: {  	s3 =	sadd.s32 $0x2DC780, s3  }
0xab: {  	[tilespmem:s28], [sflag:$0x2] =	stream.linear.gather [hbm4b:s3+s4], $0x400, $0x38;
	[tilespmem:$0x6000] =	vst v63  }
0xac: {  	_ =	swait.ge [sflag:s29], $0x1000  }
0xad: {  	[sflag:s29] =	ssyncset.done $0x0  }
0xae: {  	[sflag:s29] =	ssyncadd.s32 $0xFFFFF000  }
0xaf: {  	_ =	swait.ge [sflag:s30], $0x1000  }
0xb0: {  	[sflag:s30] =	ssyncset.done $0x0  }
0xb1: {  	[sflag:s30] =	ssyncadd.s32 $0xFFFFF000  }
0xb2: {  	_ =	swait.ge [sflag:s31], $0x1000  }
0xb3: {  	[sflag:s31] =	ssyncset.done $0x0  }
0xb4: {  	[sflag:s31] =	ssyncadd.s32 $0xFFFFF000  }
0xb5: {  	_ =	swait.ge [sflag:s0], $0x1000  }
0xb6: {  	s6 =	rddreg [dreg:$0xe]  }
0xb7: {  	s3 =	rddreg [dreg:$0x7];
	s6 =	sadd.s32 $0x1, s6  }
0xb8: {  	p0 =	sne.s32 s6, s3  }
.Ltmp3:
0xb9: {  	_ = 	snop;
	(pc) =	sbr.rel @p0 .LBB2_1-.Ltmp3, $3  }
0xba: {  	_ =	sdelay $0x1  }
0xbb: {  	[sflag:s0] =	ssyncset.done $0x0  }
0xbc: {  	[sflag:s0] =	ssyncadd.s32 $0xFFFFF000  }
0xbd: {  	_ =	sfence.sel $0x180000  }
0xbe: {  	[bflag:$0x0] =	sbarrier.arrive $0xFFFF  }
0xbf: {  	_ =	strace $0x90000047  }
0xc0: {  	s0 =	stileid.u32;
	[bflag:$0x2] =	sbarrier.arrive $0xFFFF  }
0xc1: {  	p0 =	sne.s32 s0, $0x0;
	s0 =	rddreg [dreg:$0x2]  }
0xc2: {  	s0 =	sadd.s32 @!p0 $0x100000, s0  }
0xc3: {  	[sflag:s0] =	ssyncadd.tile.s32 @!p0 $0x1;
	_ =	shalt  }
.Lfunc_end2:
_tile_overlayer_lowered:
.L_overlay_start_2:
0xc4: {  	(tag) =	ssettag $0x2  }
0xc5: {  	s0 =	rddreg [dreg:$0x0];
	s2 =	stileid.u32  }
0xc6: {  	s1 =	rddreg [dreg:$0x1];
	p0 =	sne.s32 s2, $0x0  }
0xc7: {  	s3 =	rddreg [dreg:$0x2];
	[bflag:$0x3] =	sbarrier.arrive $0xFFFF;
	s2 =	simm.s32 @!p0 $0x1C05  }
0xc8: {  	[timem:s3], [sflag:s2] =	dma.local @!p0 [hbm:s0], s1  }
0xc9: {  	s0 =	simm.s32 @!p0 $0x5  }
0xca: {  	_ =	swait.ge @!p0 [sflag:s0], s1  }
0xcb: {  	s1 =	ssub.s32 @!p0 $0x0, s1;
	[sflag:s0] =	ssyncset.done @!p0 $0x0  }
0xcc: {  	[sflag:s0] =	ssyncadd.s32 @!p0 s1  }
0xcd: {  	[bflag:$0x3] =	sbarrier.arrive $0xFFFF  }
0xce: {  	_ =	shalt  }

// kernel: kernel.7.cloned.1.call-start
scs
__scs_entry_jumppad:
0x0: {  	(pc) =	sbr.rel $0x88, $3  }
0x1: {  	(tag) =	ssettag $0x0;
	lr =	simm.s32 $0x1  }
0x2: {  	[smem:$0x3F9F] =	sst lr;
	_ =	strace $0xD0000000  }
0x3: {  	_ = 	snop  }
0x4: {  	_ = 	snop  }
0x5: {  	_ = 	snop  }
0x6: {  	_ = 	snop  }
0x7: {  	_ = 	snop  }
__scs_overlays_trampoline_lowered:
0x8: {  	[smem:$0x3FAE] =	sst s0  }
0x9: {  	[smem:$0x3FAF] =	sst s1  }
0xa: {  	[smem:$0x3FB0] =	sst s2  }
0xb: {  	[smem:$0x3FB1] =	sst s3  }
0xc: {  	[smem:$0x3FB2] =	sst s4  }
0xd: {  	[smem:$0x3FB3] =	sst s5  }
0xe: {  	[smem:$0x3FB4] =	sst s6  }
0xf: {  	[smem:$0x3FB5] =	sst s7  }
0x10: {  	[smem:$0x3FB6] =	sst s8  }
0x11: {  	[smem:$0x3FB7] =	sst s9;
	s0 =	simm.s32 @!p0 $0x0  }
0x12: {  	s1 =	sld [smem:$0x3F9D];
	s0 =	simm.s32 @p0 $0x1  }
0x13: {  	[smem:$0x3FB8] =	sst s0;
	s0 =	simm.s32 @!p1 $0x0  }
0x14: {  	s2 =	sld [smem:$0x3F9C];
	s0 =	simm.s32 @p1 $0x1  }
0x15: {  	[smem:$0x3FB9] =	sst s0;
	s0 =	simm.s32 @!p2 $0x0  }
0x16: {  	s3 =	sld [smem:$0x3FDB];
	s0 =	simm.s32 @p2 $0x1  }
0x17: {  	s4 =	simm.s32 $0x1BF5;
	[smem:$0x3FBB] =	sst s0  }
0x18: {  	s0 =	sld [smem:$0x3F9E];
	_ =	swait.ge [sflag:s4], $0x0  }
0x19: {  	s7 =	sld [smem:$0x3F9F]  }
0x1a: {  	s8 =	sadd.s32 $0xFFFFE003, lr  }
0x1b: {  	s9 =	sadd.s32 $0xFFFFFEF7, lr;
	s5 =	simm.s32 $0xFFFFFFFF;
	p2 =	slt.u32 s8, $0xFFFFF086  }
0x1c: {  	p1 =	slt.u32 s9, $0xF7A;
	s5 =	simm.s32 @!p2 $0x0  }
0x1d: {  	s5 =	simm.s32 @p1 $0x1;
	p0 =	seq.s32 s7, s2  }
0x1e: {  	s7 =	smul.u32 @!p0 $0xF7A, s2;
	p2 =	seq.s32 @!p0 s5, $0x0  }
0x1f: {  	s9 =	smul.u32 $0xF7A, s1;
	s8 =	simm.s32 @!p0 $0x1BF5;
	p2 =	por !p2, p0  }
0x20: {  	[sflag:s8] =	ssyncset.s32 @!p0 $0xFFFFF086;
	s6 =	sadd.s32 @!p0 s3, s7;
	s7 =	simm.s32 @!p0 $0x108  }
0x21: {  	s3 =	sadd.s32 s3, s9;
	s6 =	sadd.s32 @!p0 $0x88, s6;
	s7 =	simm.s32 @p2 $0x1082  }
0x22: {  	[simem:s7], [sflag:s8] =	dma.local @!p0 [hbm:s6], $0xF7A  }
0x23: {  	s9 =	sor.u32 $0xD0000000, s2;
	s6 =	simm.s32 $0x108;
	_ =	swait.ge @!p0 [sflag:s8], $0x0  }
0x24: {  	s3 =	sadd.s32 $0x88, s3;
	s6 =	simm.s32 @!p1 $0x1082;
	[sflag:s4] =	ssyncset.s32 $0xFFFFF086  }
0x25: {  	[simem:s6], [sflag:s4] =	dma.local [hbm:s3], $0xF7A  }
0x26: {  	[smem:$0x3F9F] =	sst s1;
	(tag) =	ssettag s2;
	_ =	strace s9  }
0x27: {  	s1 =	sld [smem:$0x3FAF]  }
0x28: {  	s2 =	sld [smem:$0x3FB0]  }
0x29: {  	s4 =	sld [smem:$0x3FB2]  }
0x2a: {  	p0 =	seq.s32 s5, $0x0;
	s5 =	sld [smem:$0x3FB3]  }
0x2b: {  	s6 =	sld [smem:$0x3FB4]  }
0x2c: {  	s7 =	sld [smem:$0x3FB5]  }
0x2d: {  	s3 =	simm.s32 $0x108;
	s8 =	sld [smem:$0x3FB6]  }
0x2e: {  	s3 =	simm.s32 @!p0 $0x1082;
	s9 =	sld [smem:$0x3FB7]  }
0x2f: {  	lr =	sadd.s32 s0, s3;
	s0 =	sld [smem:$0x3FAE]  }
0x30: {  	s3 =	sld [smem:$0x3FB1]  }
0x31: {  	[smem:$0x3FBA] =	sst s10  }
0x32: {  	s10 =	sld [smem:$0x3FB8];
	_ =	sdelay $0x3  }
0x33: {  	p0 =	seq.s32 s10, $0x1;
	s10 =	sld [smem:$0x3FBA];
	_ =	sdelay $0x3  }
0x34: {  	[smem:$0x3FBA] =	sst s10  }
0x35: {  	s10 =	sld [smem:$0x3FB9];
	_ =	sdelay $0x3  }
0x36: {  	p1 =	seq.s32 s10, $0x1;
	s10 =	sld [smem:$0x3FBA];
	_ =	sdelay $0x3  }
0x37: {  	[smem:$0x3FBA] =	sst s10  }
0x38: {  	s10 =	sld [smem:$0x3FBB]  }
0x39: {  	_ = 	snop;
	(pc) =	sbr.ind lr, $3  }
0x3a: {  	_ = 	snop  }
0x3b: {  	_ = 	snop  }
0x3c: {  	p2 =	seq.s32 s10, $0x1;
	s10 =	sld [smem:$0x3FBA]  }
0x3d: {  	_ =	shalt  }
0x3e: {  	_ =	shalt  }
0x3f: {  	_ =	shalt  }
0x40: {  	_ =	shalt  }
0x41: {  	_ =	shalt  }
0x42: {  	_ =	shalt  }
0x43: {  	_ =	shalt  }
0x44: {  	_ =	shalt  }
0x45: {  	_ =	shalt  }
0x46: {  	_ =	shalt  }
0x47: {  	_ =	shalt  }
0x48: {  	_ =	shalt  }
0x49: {  	_ =	shalt  }
0x4a: {  	_ =	shalt  }
0x4b: {  	_ =	shalt  }
0x4c: {  	_ =	shalt  }
0x4d: {  	_ =	shalt  }
0x4e: {  	_ =	shalt  }
0x4f: {  	_ =	shalt  }
0x50: {  	_ =	shalt  }
0x51: {  	_ =	shalt  }
0x52: {  	_ =	shalt  }
0x53: {  	_ =	shalt  }
0x54: {  	_ =	shalt  }
0x55: {  	_ =	shalt  }
0x56: {  	_ =	shalt  }
0x57: {  	_ =	shalt  }
0x58: {  	_ =	shalt  }
0x59: {  	_ =	shalt  }
0x5a: {  	_ =	shalt  }
0x5b: {  	_ =	shalt  }
0x5c: {  	_ =	shalt  }
0x5d: {  	_ =	shalt  }
0x5e: {  	_ =	shalt  }
0x5f: {  	_ =	shalt  }
0x60: {  	_ =	shalt  }
0x61: {  	_ =	shalt  }
0x62: {  	_ =	shalt  }
0x63: {  	_ =	shalt  }
0x64: {  	_ =	shalt  }
0x65: {  	_ =	shalt  }
0x66: {  	_ =	shalt  }
0x67: {  	_ =	shalt  }
0x68: {  	_ =	shalt  }
0x69: {  	_ =	shalt  }
0x6a: {  	_ =	shalt  }
0x6b: {  	_ =	shalt  }
0x6c: {  	_ =	shalt  }
0x6d: {  	_ =	shalt  }
0x6e: {  	_ =	shalt  }
0x6f: {  	_ =	shalt  }
0x70: {  	_ =	shalt  }
0x71: {  	_ =	shalt  }
0x72: {  	_ =	shalt  }
0x73: {  	_ =	shalt  }
0x74: {  	_ =	shalt  }
0x75: {  	_ =	shalt  }
0x76: {  	_ =	shalt  }
0x77: {  	_ =	shalt  }
0x78: {  	_ =	shalt  }
0x79: {  	_ =	shalt  }
0x7a: {  	_ =	shalt  }
0x7b: {  	_ =	shalt  }
0x7c: {  	_ =	shalt  }
0x7d: {  	_ =	shalt  }
0x7e: {  	_ =	shalt  }
0x7f: {  	_ =	shalt  }
0x80: {  	_ =	shalt  }
0x81: {  	_ =	shalt  }
0x82: {  	_ =	shalt  }
0x83: {  	_ =	shalt  }
0x84: {  	_ =	shalt  }
0x85: {  	_ =	shalt  }
0x86: {  	_ =	shalt  }
0x87: {  	_ =	shalt  }
.Lfunc_end0:
.L_simem_size_0:
called_computation.1_lowered:
.L_overlay_start_0:
0x88: {  	s2 =	sld [smem:$0x3FD9]  }
0x89: {  	s3 =	sld [smem:$0x3FFE];
	_ =	sdelay $0x1  }
0x8a: {  	s1 =	srdreg.scid  }
0x8b: {  	s0 =	sand.u32 $0x1, s1  }
0x8c: {  	s17 =	sshll.u32 s0, $0xA;
	s2 =	sadd.s32 s3, s2  }
0x8d: {  	s2 =	sadd.s32 s2, s17  }
0x8e: {  	[smem:$0x3FC6] =	sst s2  }
0x8f: {  	_ = 	snop  }
0x90: {  	s2 =	sld [smem:$0x3FD0];
	(tm) =	ssettm $0x1  }
0x91: {  	s18 =	sld [smem:$0x3FFB];
	_ =	sdelay $0x3  }
0x92: {  	_ =	strace s18  }
0x93: {  	s3 =	sld [smem:$0x3FFC];
	_ =	sdelay $0x3  }
0x94: {  	_ =	strace s3  }
0x95: {  	s3 =	sld [smem:$0x3FFD];
	_ =	sdelay $0x3  }
0x96: {  	_ =	strace s3  }
0x97: {  	_ =	strace $0x8FFFFFFF  }
0x98: {  	s19 =	sld [smem:$0x3FDB];
	_ =	sdelay $0x1  }
0x99: {  	s4 =	simm.s32 $_scs_section_size  }
0x9a: {  	s5 =	simm.s32 $_size__tile_overlayer_lowered;
	s6 =	simm.s32 $_tile_overlayer_lowered  }
0x9b: {  	s22 =	simm.s32 $0x1BFF;
	s21 =	sshll.u32 s6, $0x1;
	s3 =	sadd.s32 s4, s19  }
0x9c: {  	s7 =	simm.s32 $0x0;
	s20 =	sshll.u32 s5, $0x1;
	s5 =	sadd.s32 s21, s3  }
0x9d: {  	[timem:s7], [sflag:s22] =	dma.local [hbm:s5], s20  }
0x9e: {  	_ =	swait.ge [sflag:s22], s20  }
0x9f: {  	s4 =	ssub.s32 $0x0, s20;
	[sflag:s22] =	ssyncset.done $0x0  }
0xa0: {  	[sflag:s22] =	ssyncadd.s32 s4;
	_ =	sdelay $0x1  }
0xa1: {  	s23 =	simm.s32 $0x1B8B  }
0xa2: {  	_ =	swait.ge [sflag:s23], $0x1  }
0xa3: {  	[sflag:s23] =	ssyncset.done $0x0  }
0xa4: {  	s25 =	simm.s32 $0x1B8E;
	s24 =	sld [smem:$0x3FFE];
	[sflag:s23] =	ssyncadd.s32 $0xFFFFFFFF  }
0xa5: {  	s26 =	simm.s32 $execute0_lowered;
	[smem:$0x3FD2] =	sst s25  }
0xa6: {  	s5 =	sshll.u32 s26, $0x1;
	_ =	strace $0x80000049;
	[dreg:$0x1] =	wrdreg $0xFFFFFFFF  }
0xa7: {  	s28 =	simm.s32 $_size_execute0_lowered;
	s3 =	sadd.s32 s3, s5;
	[dreg:$0x0] =	wrdreg $0x0  }
0xa8: {  	s5 =	sshll.u32 s28, $0x1;
	[dreg:$0x2] =	wrdreg s3  }
0xa9: {  	[dreg:$0x3] =	wrdreg s5  }
0xaa: {  	[dreg:$0x4] =	wrdreg $0xC0  }
0xab: {  	_ =	task [dreg:s7], $0x5FFFF  }
0xac: {  	[dreg:$0x1] =	wrdreg $0xFFFFFFFF  }
0xad: {  	[dreg:$0x0] =	wrdreg $0x60  }
0xae: {  	[dreg:$0x2] =	wrdreg s24  }
0xaf: {  	[dreg:$0x3] =	wrdreg s2  }
0xb0: {  	[dreg:$0x4] =	wrdreg $0x9  }
0xb1: {  	_ =	task.clear_ibuf [dreg:s7], $0x5FFFF;
	_ =	strace $0x90000049  }
0xb2: {  	s29 =	simm.s32 $0x9;
	_ =	strace $0x8000004B  }
0xb3: {  	_ =	swait.ge [sflag:s29], $0x1  }
0xb4: {  	[sflag:s29] =	ssyncadd.s32 $0xFFFFFFFF  }
0xb5: {  	_ =	strace $0x9000004B  }
0xb6: {  	_ =	sfence  }
0xb7: {  	s30 =	sld [smem:$0x0];
	_ =	sdelay $0x2  }
0xb8: {  	s31 =	sshll.u32 s1, $0xD;
	s1 =	sshrl.u32 s1, $0x2  }
0xb9: {  	s3 =	sand.u32 $0x4000, s31;
	s1 =	sadd.s32 s1, s30  }
0xba: {  	s0 =	sor.u32 s3, s0;
	s1 =	sshll.u32 s1, $0x11  }
0xbb: {  	s0 =	sor.u32 s1, s0  }
0xbc: {  	s0 =	sadd.s32 $0x8F2B, s0  }
0xbd: {  	[sflag:s0] =	ssyncadd.remote.s32 $0x1  }
0xbe: {  	_ =	sfence.sel $0xFFFF  }
0xbf: {  	[dreg:$0x0] =	wrdreg $0xFFFFFFFF;
	(pc) =	sbr.abs _section_cstart, $3  }
0xc0: {  	[dreg:$0x1] =	wrdreg $0xFFFFFFFF  }
0xc1: {  	_ =	task.clear_ibuf [dreg:s7], $0x2FFFF;
	_ =	strace $0x9FFFFFFF  }
0xc2: {  	(tm) =	ssettm $0x7FFFFFFF  }
0xc3: {  	_ =	shalt  }
tec
execute0_lowered:
.L_overlay_start_1:
0x0: {  	(tag) =	ssettag $0x1  }
0x1: {  	s0 =	rddreg [dreg:$0x0]  }
0x2: {  	s2 =	rddreg [dreg:$0x1];
	s1 =	srdreg.scid  }
0x3: {  	s3 =	simm.s32 $0x0;
	s4 =	stileid.u32;
	s12 =	simm.s32 $0x5  }
0x4: {  	s13 =	simm.s32 $0x80;
	s15 =	simm.s32 $0x1400;
	s16 =	simm.s32 $0x100  }
0x5: {  	s17 =	simm.s32 $0x2400;
	s18 =	simm.s32 $0x180;
	s19 =	simm.s32 $0x3400  }
0x6: {  	s20 =	simm.s32 $0x200;
	s29 =	simm.s32 $0x1;
	s30 =	simm.s32 $0x3  }
0x7: {  	s31 =	simm.s32 $0x8400;
	s14 =	simm.s32 $0x0;
	s1 =	sand.u32 $0x1, s1  }
0x8: {  	[smem:$0x7FF] =	sst s3;
	s4 =	sshll.u32 s4, $0xA;
	s6 =	sadd.s32 $0xA00, s0  }
0x9: {  	s5 =	sshll.u32 s1, $0x9;
	_ =	strace $0x8000004A;
	s1 =	ssub.s32 $0x2, s1  }
0xa: {  	s4 =	sor.u32 s5, s4;
	s5 =	sadd.s32 $0x64A00, s0;
	s7 =	sshrl.u32 s1, $0x1  }
0xb: {  	v0 =	vlaneseq.u32;
	s9 =	sshrl.u32 s4, $0x3;
	s26 =	ssub.s32 s1, s7;
	s10 =	sor.u32 $0x8000, s4  }
0xc: {  	v0 =	vmul.u32 $0x210, v0;
	s1 =	simm.s32 $0x4;
	s7 =	sadd.s32 s5, s9;
	s28 =	sadd.s32 s6, s9  }
0xd: {  	s0 =	smax.u32 s26, $0x1;
	s9 =	simm.s32 $0xC600;
	[dreg:$0x3] =	wrdreg s28  }
0xe: {  	v1 =	vadd.s32 $0x2100, v0;
	s8 =	sadd.s32 $0x10000, s7;
	[dreg:$0x4] =	wrdreg s0;
	s0 =	simm.s32 $0x2  }
.LBB2_1:
0xf: {  	[dreg:$0x5] =	wrdreg s14;
	s11 =	simm.s32 $0x800  }
0x10: {  	s22 =	sadd.s32 $0x0, s7;
	s14 =	simm.s32 $0x8610;
	s21 =	simm.s32 $0x8400  }
.LBB2_2:
0x11: {  	[hbm4b:s22+s3] =	stream.linear.scatter [tilespmem:s21], [sflag:$0x3], $0x200, $0x38;
	[tilespmem:$0x10800] =	vst v63  }
0x12: {  	s22 =	smov.u32 s11;
	s21 =	smov.u32 s14;
	p0 =	sne.s32 s11, $0xF800  }
.Ltmp0:
0x13: {  	s11 =	sadd.s32 $0x800, s11;
	(pc) =	sbr.rel @p0 .LBB2_2-.Ltmp0, $2  }
0x14: {  	_ =	sdelay $0x2  }
0x15: {  	s14 =	sadd.s32 $0x210, s14;
	s22 =	sadd.s32 s22, s7  }
0x16: {  	[hbm4b:s22+s3] =	stream.linear.scatter [tilespmem:s21], [sflag:$0x3], $0x200, $0x38;
	[tilespmem:$0x10800] =	vst v63  }
0x17: {  	s11 =	simm.s32 $0xC600  }
0x18: {  	s14 =	simm.s32 $0x800;
	s22 =	sadd.s32 $0x0, s8;
	s21 =	simm.s32 $0xC810  }
.LBB2_4:
0x19: {  	[hbm4b:s22+s3] =	stream.linear.scatter [tilespmem:s11], [sflag:$0x4], $0x200, $0x38;
	[tilespmem:$0x10800] =	vst v63  }
0x1a: {  	s22 =	smov.u32 s14;
	s11 =	smov.u32 s21;
	p0 =	sne.s32 s14, $0xF800  }
.Ltmp1:
0x1b: {  	s14 =	sadd.s32 $0x800, s14;
	(pc) =	sbr.rel @p0 .LBB2_4-.Ltmp1, $2  }
0x1c: {  	_ =	sdelay $0x2  }
0x1d: {  	s21 =	sadd.s32 $0x210, s21;
	s22 =	sadd.s32 s22, s8  }
0x1e: {  	[hbm4b:s22+s3] =	stream.linear.scatter [tilespmem:s11], [sflag:$0x4], $0x200, $0x38;
	[tilespmem:$0x10800] =	vst v63  }
0x1f: {  	s11 =	simm.s32 $0x0;
	s14 =	rddreg [dreg:$0x3]  }
0x20: {  	[tilespmem:s11], [sflag:$0x5] =	stream.linear.gather [hbm4b:s14+s11], $0x200, $0x38;
	[tilespmem:$0x10800] =	vst v63  }
0x21: {  	_ =	swait.ge [sflag:s12], $0x200  }
0x22: {  	[sflag:s12] =	ssyncset.done $0x0  }
0x23: {  	s28 =	simm.s32 $0x400;
	[sflag:s12] =	ssyncadd.s32 $0xFFFFFE00  }
0x24: {  	[tilespmem:s28], [sflag:$0x1] =	stream.indirect.gather [hbm4b:s2+s13], $0x20, s11, s13, $0xb8;
	[tilespmem:$0x10800] =	vst v63  }
0x25: {  	_ = 	snop  }
0x26: {  	[tilespmem:s15], [sflag:$0x1] =	stream.indirect.gather [hbm4b:s2+s13], $0x20, s13, s13, $0xb8;
	[tilespmem:$0x10800] =	vst v63  }
0x27: {  	_ = 	snop  }
0x28: {  	[tilespmem:s17], [sflag:$0x1] =	stream.indirect.gather [hbm4b:s2+s13], $0x20, s16, s13, $0xb8;
	[tilespmem:$0x10800] =	vst v63  }
0x29: {  	s21 =	simm.s32 $0x0  }
0x2a: {  	[tilespmem:s19], [sflag:$0x1] =	stream.indirect.gather [hbm4b:s2+s13], $0x20, s18, s13, $0xb8;
	[tilespmem:$0x10800] =	vst v63  }
.LBB2_6:
0x2b: {  	s22 =	sshllo.u32 s21, $0x1  }
0x2c: {  	s14 =	sshll.u32 s22, $0xE  }
0x2d: {  	s14 =	sor.u32 s4, s14  }
0x2e: {  	s14 =	sshrl.u32 s14, $0x3  }
0x2f: {  	s14 =	sadd.s32 s6, s14  }
0x30: {  	[tilespmem:s20], [sflag:$0x5] =	stream.linear.gather [hbm4b:s14+s11], $0x200, $0x38;
	[tilespmem:$0x10800] =	vst v63  }
0x31: {  	_ =	swait.ge [sflag:s12], $0x200  }
0x32: {  	[sflag:s12] =	ssyncset.done $0x0  }
0x33: {  	s23 =	simm.s32 $0x4400;
	[sflag:s12] =	ssyncadd.s32 $0xFFFFFE00  }
0x34: {  	[tilespmem:s23], [sflag:$0x2] =	stream.indirect.gather [hbm4b:s2+s13], $0x20, s20, s13, $0xb8;
	[tilespmem:$0x10800] =	vst v63  }
0x35: {  	s24 =	simm.s32 $0x280;
	s23 =	simm.s32 $0x5400  }
0x36: {  	[tilespmem:s23], [sflag:$0x2] =	stream.indirect.gather [hbm4b:s2+s13], $0x20, s24, s13, $0xb8;
	[tilespmem:$0x10800] =	vst v63  }
0x37: {  	s25 =	simm.s32 $0x300;
	s26 =	simm.s32 $0x6400  }
0x38: {  	[tilespmem:s26], [sflag:$0x2] =	stream.indirect.gather [hbm4b:s2+s13], $0x20, s25, s13, $0xb8;
	[tilespmem:$0x10800] =	vst v63  }
0x39: {  	s23 =	simm.s32 $0x380;
	s24 =	simm.s32 $0x7400  }
0x3a: {  	[tilespmem:s24], [sflag:$0x2] =	stream.indirect.gather [hbm4b:s2+s13], $0x20, s23, s13, $0xb8;
	[tilespmem:$0x10800] =	vst v63  }
0x3b: {  	_ =	swait.ge [sflag:s29], $0x4000  }
0x3c: {  	[sflag:s29] =	ssyncset.done $0x0  }
0x3d: {  	[sflag:s29] =	ssyncadd.s32 $0xFFFFC000  }
0x3e: {  	s25 =	simm.s32 $0x3;
	_ =	swait.ge [sflag:s30], $0x4000  }
0x3f: {  	v2 =	vmov s25;
	[sflag:s30] =	ssyncset.done $0x0  }
0x40: {  	v3 =	vmov s11;
	s25 =	simm.s32 $0x440;
	v2 =	vand.u32 $0x1FF, v2;
	[sflag:s30] =	ssyncadd.s32 $0xFFFFC000  }
0x41: {  	v3 =	vand.u32 $0x1FC, v3;
	v5 =	vadd.s32 v0, v2;
	v4 =	vld [tilespmem:s25+$0x20]  }
0x42: {  	v7 =	vadd.s32 v0, v3;
	v6 =	vld [tilespmem:s25+$0xFFFFFFC0]  }
0x43: {  	s26 =	simm.s32 $0x1  }
0x44: {  	v8 =	vmov s26  }
0x45: {  	s23 =	simm.s32 $0x2;
	v8 =	vand.u32 $0x1FD, v8  }
0x46: {  	v9 =	vmov s23;
	v11 =	vadd.s32 v0, v8;
	v10 =	vld [tilespmem:s25+$0xFFFFFFE0];
	[tilespmem:v5+s31+$0x0] =	vst.idx.msk $0xffff, v4  }
0x47: {  	s24 =	simm.s32 $0x7;
	v14 =	vadd.s32 v1, v2;
	v16 =	vand.u32 $0x1FE, v9;
	[tilespmem:v7+s31+$0x0] =	vst.idx.msk $0xffff, v6;
	v7 =	vld [tilespmem:s25+$0x30]  }
0x48: {  	s26 =	simm.s32 $0x4;
	v12 =	vadd.s32 v0, v16;
	v9 =	vld [tilespmem:s25+$0x0];
	v4 =	vmov s24  }
0x49: {  	v18 =	vadd.s32 v1, v3;
	v2 =	vmov s26;
	s23 =	simm.s32 $0x5;
	s24 =	simm.s32 $0x4C0;
	v4 =	vand.u32 $0x1FF, v4;
	v17 =	vld [tilespmem:s25+$0xFFFFFFD0]  }
0x4a: {  	s26 =	simm.s32 $0x6;
	v5 =	vand.u32 $0x1FC, v2;
	v2 =	vmov s23;
	v19 =	vld [tilespmem:s24+$0x20];
	v20 =	vadd.s32 v0, v4  }
0x4b: {  	[tilespmem:v11+s31+$0x0] =	vst.idx.msk $0xffff, v10;
	v6 =	vmov s26;
	v13 =	vld [tilespmem:s24+$0xFFFFFFC0];
	v15 =	vadd.s32 v0, v5;
	v3 =	vand.u32 $0x1FD, v2  }
0x4c: {  	v11 =	vld [tilespmem:s24+$0xFFFFFFE0];
	v2 =	vand.u32 $0x1FE, v6;
	[tilespmem:v14+s31+$0x0] =	vst.idx.msk $0xffff, v7;
	v14 =	vadd.s32 v0, v3  }
0x4d: {  	[tilespmem:v12+s31+$0x0] =	vst.idx.msk $0xffff, v9;
	v6 =	vld [tilespmem:s24+$0x0];
	v12 =	vadd.s32 v0, v2  }
0x4e: {  	s28 =	simm.s32 $0xC;
	s14 =	simm.s32 $0xB;
	v8 =	vadd.s32 v1, v8;
	[tilespmem:v18+s31+$0x0] =	vst.idx.msk $0xffff, v17;
	v7 =	vld [tilespmem:s25+$0xFFFFFFF0]  }
0x4f: {  	s23 =	sshll.u32 s21, $0x1;
	s26 =	simm.s32 $0x8;
	v10 =	vadd.s32 v1, v16;
	v9 =	vld [tilespmem:s25+$0x10];
	s25 =	simm.s32 $0x4C0;
	[tilespmem:v20+s31+$0x0] =	vst.idx.msk $0xffff, v19  }
.LBB2_7:
0x50: {  	p0 =	slt.u32 s28, $0x1FC;
	v16 =	vmov s14;
	[tilespmem:v15+s31+$0x0] =	vst.idx.msk $0xffff, v13;
	v17 =	vld [tilespmem:s24+$0x30];
	v18 =	vadd.s32 v1, v4  }
0x51: {  	v13 =	vmov s26;
	s14 =	sadd.s32 $0x1, s26;
	v19 =	vadd.s32 v1, v5;
	s24 =	sadd.s32 $0x80, s24;
	v4 =	vand.u32 $0x1FF, v16;
	v16 =	vld [tilespmem:s25+$0xFFFFFFD0];
	[tilespmem:v14+s31+$0x0] =	vst.idx.msk $0xffff, v11  }
0x52: {  	v5 =	vand.u32 $0x1FC, v13;
	v11 =	vmov s14;
	s14 =	sadd.s32 $0x2, s26;
	s26 =	smov.u32 s28;
	v20 =	vld [tilespmem:s24+$0x20];
	v21 =	vadd.s32 v0, v4;
	[tilespmem:v12+s31+$0x0] =	vst.idx.msk $0xffff, v6  }
.Ltmp2:
0x53: {  	v15 =	vadd.s32 v0, v5;
	v22 =	vand.u32 $0x1FD, v11;
	v6 =	vmov s14;
	v13 =	vld [tilespmem:s24+$0xFFFFFFC0];
	[tilespmem:v8+s31+$0x0] =	vst.idx.msk $0xffff, v7;
	(pc) =	sbr.rel @p0 .LBB2_7-.Ltmp2, $4  }
0x54: {  	v14 =	vadd.s32 v0, v22;
	v23 =	vand.u32 $0x1FE, v6;
	v11 =	vld [tilespmem:s24+$0xFFFFFFE0];
	[tilespmem:v10+s31+$0x0] =	vst.idx.msk $0xffff, v9  }
0x55: {  	v12 =	vadd.s32 v0, v23;
	v6 =	vld [tilespmem:s24+$0x0];
	[tilespmem:v18+s31+$0x0] =	vst.idx.msk $0xffff, v17  }
0x56: {  	v8 =	vadd.s32 v1, v3;
	v3 =	vmov v22;
	[tilespmem:v19+s31+$0x0] =	vst.idx.msk $0xffff, v16;
	v7 =	vld [tilespmem:s25+$0xFFFFFFF0]  }
0x57: {  	s28 =	sadd.s32 $0x4, s28;
	s14 =	sadd.s32 $0x3, s26;
	v10 =	vadd.s32 v1, v2;
	v2 =	vmov v23;
	[tilespmem:v21+s31+$0x0] =	vst.idx.msk $0xffff, v20;
	v9 =	vld [tilespmem:s25+$0x10];
	s25 =	smov.u32 s24  }
0x58: {  	_ =	sdelay $0x3  }
0x59: {  	v16 =	vmov s14;
	[tilespmem:v15+s31+$0x0] =	vst.idx.msk $0xffff, v13;
	v46 =	vld [tilespmem:s24+$0x30];
	v4 =	vadd.s32 v1, v4  }
0x5a: {  	v47 =	vmov s26;
	s14 =	sadd.s32 $0x1, s26;
	v5 =	vadd.s32 v1, v5;
	s24 =	sadd.s32 $0x80, s24;
	v16 =	vand.u32 $0x1FF, v16;
	v17 =	vld [tilespmem:s25+$0xFFFFFFD0];
	[tilespmem:v14+s31+$0x0] =	vst.idx.msk $0xffff, v11  }
0x5b: {  	s26 =	sadd.s32 $0x2, s26;
	v48 =	vand.u32 $0x1FC, v47;
	v49 =	vmov s14;
	v50 =	vld [tilespmem:s24+$0x20];
	v18 =	vadd.s32 v0, v16;
	[tilespmem:v12+s31+$0x0] =	vst.idx.msk $0xffff, v6  }
0x5c: {  	v51 =	vld [tilespmem:s24+$0xFFFFFFC0];
	v19 =	vmov s26;
	v52 =	vadd.s32 v0, v48;
	v14 =	vand.u32 $0x1FD, v49;
	[tilespmem:v8+s31+$0x0] =	vst.idx.msk $0xffff, v7  }
0x5d: {  	v53 =	vld [tilespmem:s24+$0xFFFFFFE0];
	v19 =	vand.u32 $0x1FE, v19;
	v54 =	vadd.s32 v0, v14;
	[tilespmem:v10+s31+$0x0] =	vst.idx.msk $0xffff, v9  }
0x5e: {  	v55 =	vld [tilespmem:s24+$0x0];
	v56 =	vadd.s32 v0, v19;
	[tilespmem:v4+s31+$0x0] =	vst.idx.msk $0xffff, v46  }
0x5f: {  	v3 =	vadd.s32 v1, v3;
	v57 =	vld [tilespmem:s25+$0xFFFFFFF0];
	[tilespmem:v5+s31+$0x0] =	vst.idx.msk $0xffff, v17  }
0x60: {  	v2 =	vadd.s32 v1, v2;
	v58 =	vld [tilespmem:s25+$0x10];
	[tilespmem:v18+s31+$0x0] =	vst.idx.msk $0xffff, v50  }
0x61: {  	v60 =	vadd.s32 v1, v16;
	[tilespmem:v52+s31+$0x0] =	vst.idx.msk $0xffff, v51;
	v59 =	vld [tilespmem:s24+$0x30]  }
0x62: {  	v11 =	vadd.s32 v1, v48;
	v61 =	vld [tilespmem:s24+$0xFFFFFFD0];
	[tilespmem:v54+s31+$0x0] =	vst.idx.msk $0xffff, v53  }
0x63: {  	v62 =	vadd.s32 v1, v14;
	[tilespmem:v56+s31+$0x0] =	vst.idx.msk $0xffff, v55;
	v7 =	vld [tilespmem:s24+$0xFFFFFFF0]  }
0x64: {  	v63 =	vadd.s32 v1, v19;
	[tilespmem:v3+s31+$0x0] =	vst.idx.msk $0xffff, v57;
	v3 =	vld [tilespmem:s24+$0x10]  }
0x65: {  	s26 =	sshll.u32 s21, $0x14;
	[tilespmem:v2+s31+$0x0] =	vst.idx.msk $0xffff, v58  }
0x66: {  	s14 =	sor.u32 s4, s26;
	[tilespmem:v60+s31+$0x0] =	vst.idx.msk $0xffff, v59  }
0x67: {  	s14 =	sshrl.u32 s14, $0x3;
	[tilespmem:v11+s31+$0x0] =	vst.idx.msk $0xffff, v61  }
0x68: {  	s26 =	simm.s32 $0x8610;
	s24 =	sadd.s32 s5, s14;
	[tilespmem:v62+s31+$0x0] =	vst.idx.msk $0xffff, v7  }
0x69: {  	s25 =	simm.s32 $0x8400;
	s14 =	simm.s32 $0x800;
	s28 =	sadd.s32 $0x0, s24;
	[tilespmem:v63+s31+$0x0] =	vst.idx.msk $0xffff, v3  }
.LBB2_9:
0x6a: {  	[hbm4b:s28+s3] =	stream.linear.scatter [tilespmem:s25], [sflag:$0x3], $0x200, $0x38;
	[tilespmem:$0x10800] =	vst v63  }
0x6b: {  	s28 =	smov.u32 s14;
	s25 =	smov.u32 s26;
	p0 =	sne.s32 s14, $0xF800  }
.Ltmp3:
0x6c: {  	s14 =	sadd.s32 $0x800, s14;
	(pc) =	sbr.rel @p0 .LBB2_9-.Ltmp3, $2  }
0x6d: {  	_ =	sdelay $0x2  }
0x6e: {  	s26 =	sadd.s32 $0x210, s26;
	s28 =	sadd.s32 s28, s24  }
0x6f: {  	[hbm4b:s28+s3] =	stream.linear.scatter [tilespmem:s25], [sflag:$0x3], $0x200, $0x38;
	[tilespmem:$0x10800] =	vst v63  }
0x70: {  	s14 =	smin.u32 s23, $0xC5  }
0x71: {  	s14 =	sshll.u32 s14, $0xE  }
0x72: {  	s14 =	sadd.s32 s10, s14  }
0x73: {  	s14 =	sshrl.u32 s14, $0x3  }
0x74: {  	s28 =	simm.s32 $0x0;
	s14 =	sadd.s32 s6, s14  }
0x75: {  	[tilespmem:s28], [sflag:$0x5] =	stream.linear.gather [hbm4b:s14+s28], $0x200, $0x38;
	[tilespmem:$0x10800] =	vst v63  }
0x76: {  	_ =	swait.ge [sflag:s12], $0x200  }
0x77: {  	[sflag:s12] =	ssyncset.done $0x0  }
0x78: {  	s24 =	simm.s32 $0x400;
	[sflag:s12] =	ssyncadd.s32 $0xFFFFFE00  }
0x79: {  	[tilespmem:s24], [sflag:$0x1] =	stream.indirect.gather [hbm4b:s2+s13], $0x20, s28, s13, $0xb8;
	[tilespmem:$0x10800] =	vst v63  }
0x7a: {  	_ = 	snop  }
0x7b: {  	[tilespmem:s15], [sflag:$0x1] =	stream.indirect.gather [hbm4b:s2+s13], $0x20, s13, s13, $0xb8;
	[tilespmem:$0x10800] =	vst v63  }
0x7c: {  	_ = 	snop  }
0x7d: {  	[tilespmem:s17], [sflag:$0x1] =	stream.indirect.gather [hbm4b:s2+s13], $0x20, s16, s13, $0xb8;
	[tilespmem:$0x10800] =	vst v63  }
0x7e: {  	_ = 	snop  }
0x7f: {  	[tilespmem:s19], [sflag:$0x1] =	stream.indirect.gather [hbm4b:s2+s13], $0x20, s18, s13, $0xb8;
	[tilespmem:$0x10800] =	vst v63  }
0x80: {  	_ =	swait.ge [sflag:s0], $0x4000  }
0x81: {  	[sflag:s0] =	ssyncset.done $0x0  }
0x82: {  	[sflag:s0] =	ssyncadd.s32 $0xFFFFC000  }
0x83: {  	s25 =	simm.s32 $0x3;
	_ =	swait.ge [sflag:s1], $0x4000  }
0x84: {  	v2 =	vmov s25;
	[sflag:s1] =	ssyncset.done $0x0  }
0x85: {  	v3 =	vmov s28;
	v2 =	vand.u32 $0x1FF, v2;
	s24 =	simm.s32 $0x4470;
	[sflag:s1] =	ssyncadd.s32 $0xFFFFC000  }
0x86: {  	v3 =	vand.u32 $0x1FC, v3;
	v5 =	vadd.s32 v0, v2;
	v4 =	vld [tilespmem:s24+$0xFFFFFFF0]  }
0x87: {  	v7 =	vadd.s32 v0, v3;
	v6 =	vld [tilespmem:s24+$0xFFFFFF90]  }
0x88: {  	s28 =	simm.s32 $0x2  }
0x89: {  	v9 =	vmov s28  }
0x8a: {  	s26 =	simm.s32 $0x1;
	v16 =	vand.u32 $0x1FE, v9  }
0x8b: {  	v8 =	vmov s26;
	v12 =	vadd.s32 v0, v16;
	v9 =	vld [tilespmem:s24+$0xFFFFFFD0];
	[tilespmem:v5+s9+$0x0] =	vst.idx.msk $0xffff, v4  }
0x8c: {  	s23 =	simm.s32 $0x7;
	v8 =	vand.u32 $0x1FD, v8;
	v14 =	vadd.s32 v1, v2;
	[tilespmem:v7+s9+$0x0] =	vst.idx.msk $0xffff, v6;
	v6 =	vld [tilespmem:s24+$0x0]  }
0x8d: {  	s25 =	simm.s32 $0x4;
	v11 =	vadd.s32 v0, v8;
	v10 =	vld [tilespmem:s24+$0xFFFFFFB0];
	v4 =	vmov s23  }
0x8e: {  	s26 =	simm.s32 $0x5;
	v18 =	vadd.s32 v1, v3;
	v2 =	vmov s25;
	s23 =	simm.s32 $0x44F0;
	v4 =	vand.u32 $0x1FF, v4;
	v17 =	vld [tilespmem:s24+$0xFFFFFFA0]  }
0x8f: {  	s28 =	simm.s32 $0x6;
	v5 =	vand.u32 $0x1FC, v2;
	v2 =	vmov s26;
	v19 =	vld [tilespmem:s23+$0xFFFFFFF0];
	v20 =	vadd.s32 v0, v4  }
0x90: {  	[tilespmem:v12+s9+$0x0] =	vst.idx.msk $0xffff, v9;
	v7 =	vmov s28;
	v13 =	vld [tilespmem:s23+$0xFFFFFF90];
	v15 =	vadd.s32 v0, v5;
	v3 =	vand.u32 $0x1FD, v2  }
0x91: {  	v12 =	vld [tilespmem:s23+$0xFFFFFFB0];
	v2 =	vand.u32 $0x1FE, v7;
	[tilespmem:v14+s9+$0x0] =	vst.idx.msk $0xffff, v6;
	v14 =	vadd.s32 v0, v3  }
0x92: {  	[tilespmem:v11+s9+$0x0] =	vst.idx.msk $0xffff, v10;
	v7 =	vld [tilespmem:s23+$0xFFFFFFD0];
	v11 =	vadd.s32 v0, v2  }
0x93: {  	s25 =	simm.s32 $0x8;
	v8 =	vadd.s32 v1, v8;
	[tilespmem:v18+s9+$0x0] =	vst.idx.msk $0xffff, v17;
	v6 =	vld [tilespmem:s24+$0xFFFFFFC0]  }
0x94: {  	s14 =	simm.s32 $0xB;
	s26 =	simm.s32 $0xC;
	v10 =	vadd.s32 v1, v16;
	v9 =	vld [tilespmem:s24+$0xFFFFFFE0];
	s24 =	simm.s32 $0x44F0;
	[tilespmem:v20+s9+$0x0] =	vst.idx.msk $0xffff, v19  }
.LBB2_11:
0x95: {  	p0 =	slt.u32 s26, $0x1FC;
	v16 =	vmov s14;
	[tilespmem:v15+s9+$0x0] =	vst.idx.msk $0xffff, v13;
	v17 =	vld [tilespmem:s23+$0x0];
	v18 =	vadd.s32 v1, v4  }
0x96: {  	v13 =	vmov s25;
	s14 =	sadd.s32 $0x1, s25;
	v19 =	vadd.s32 v1, v5;
	s23 =	sadd.s32 $0x80, s23;
	v4 =	vand.u32 $0x1FF, v16;
	v16 =	vld [tilespmem:s24+$0xFFFFFFA0];
	[tilespmem:v14+s9+$0x0] =	vst.idx.msk $0xffff, v12  }
0x97: {  	v5 =	vand.u32 $0x1FC, v13;
	v12 =	vmov s14;
	s14 =	sadd.s32 $0x2, s25;
	s25 =	smov.u32 s26;
	v20 =	vld [tilespmem:s23+$0xFFFFFFF0];
	v21 =	vadd.s32 v0, v4;
	[tilespmem:v11+s9+$0x0] =	vst.idx.msk $0xffff, v7  }
.Ltmp4:
0x98: {  	v15 =	vadd.s32 v0, v5;
	v22 =	vand.u32 $0x1FD, v12;
	v7 =	vmov s14;
	v13 =	vld [tilespmem:s23+$0xFFFFFF90];
	[tilespmem:v8+s9+$0x0] =	vst.idx.msk $0xffff, v6;
	(pc) =	sbr.rel @p0 .LBB2_11-.Ltmp4, $4  }
0x99: {  	v14 =	vadd.s32 v0, v22;
	v23 =	vand.u32 $0x1FE, v7;
	v12 =	vld [tilespmem:s23+$0xFFFFFFB0];
	[tilespmem:v10+s9+$0x0] =	vst.idx.msk $0xffff, v9  }
0x9a: {  	v11 =	vadd.s32 v0, v23;
	v7 =	vld [tilespmem:s23+$0xFFFFFFD0];
	[tilespmem:v18+s9+$0x0] =	vst.idx.msk $0xffff, v17  }
0x9b: {  	v8 =	vadd.s32 v1, v3;
	v3 =	vmov v22;
	[tilespmem:v19+s9+$0x0] =	vst.idx.msk $0xffff, v16;
	v6 =	vld [tilespmem:s24+$0xFFFFFFC0]  }
0x9c: {  	s26 =	sadd.s32 $0x4, s26;
	s14 =	sadd.s32 $0x3, s25;
	v10 =	vadd.s32 v1, v2;
	v2 =	vmov v23;
	[tilespmem:v21+s9+$0x0] =	vst.idx.msk $0xffff, v20;
	v9 =	vld [tilespmem:s24+$0xFFFFFFE0];
	s24 =	smov.u32 s23  }
0x9d: {  	_ =	sdelay $0x3  }
0x9e: {  	v16 =	vmov s14;
	[tilespmem:v15+s9+$0x0] =	vst.idx.msk $0xffff, v13;
	v46 =	vld [tilespmem:s23+$0x0];
	v4 =	vadd.s32 v1, v4  }
0x9f: {  	v47 =	vmov s25;
	s26 =	sadd.s32 $0x1, s25;
	v5 =	vadd.s32 v1, v5;
	s28 =	sadd.s32 $0x80, s23;
	v16 =	vand.u32 $0x1FF, v16;
	v17 =	vld [tilespmem:s24+$0xFFFFFFA0];
	[tilespmem:v14+s9+$0x0] =	vst.idx.msk $0xffff, v12  }
0xa0: {  	v48 =	vand.u32 $0x1FC, v47;
	v49 =	vmov s26;
	s26 =	sadd.s32 $0x2, s25;
	v50 =	vld [tilespmem:s28+$0xFFFFFFF0];
	v18 =	vadd.s32 v0, v16;
	[tilespmem:v11+s9+$0x0] =	vst.idx.msk $0xffff, v7  }
0xa1: {  	v51 =	vld [tilespmem:s28+$0xFFFFFF90];
	v52 =	vadd.s32 v0, v48;
	v14 =	vand.u32 $0x1FD, v49;
	v19 =	vmov s26;
	[tilespmem:v8+s9+$0x0] =	vst.idx.msk $0xffff, v6  }
0xa2: {  	v53 =	vld [tilespmem:s28+$0xFFFFFFB0];
	v54 =	vadd.s32 v0, v14;
	v19 =	vand.u32 $0x1FE, v19;
	[tilespmem:v10+s9+$0x0] =	vst.idx.msk $0xffff, v9  }
0xa3: {  	v55 =	vld [tilespmem:s28+$0xFFFFFFD0];
	v56 =	vadd.s32 v0, v19;
	[tilespmem:v4+s9+$0x0] =	vst.idx.msk $0xffff, v46  }
0xa4: {  	v3 =	vadd.s32 v1, v3;
	v57 =	vld [tilespmem:s24+$0xFFFFFFC0];
	[tilespmem:v5+s9+$0x0] =	vst.idx.msk $0xffff, v17  }
0xa5: {  	v2 =	vadd.s32 v1, v2;
	v58 =	vld [tilespmem:s24+$0xFFFFFFE0];
	[tilespmem:v18+s9+$0x0] =	vst.idx.msk $0xffff, v50  }
0xa6: {  	v60 =	vadd.s32 v1, v16;
	[tilespmem:v52+s9+$0x0] =	vst.idx.msk $0xffff, v51;
	v59 =	vld [tilespmem:s28+$0x0]  }
0xa7: {  	v12 =	vadd.s32 v1, v48;
	v61 =	vld [tilespmem:s28+$0xFFFFFFA0];
	[tilespmem:v54+s9+$0x0] =	vst.idx.msk $0xffff, v53  }
0xa8: {  	v62 =	vadd.s32 v1, v14;
	[tilespmem:v56+s9+$0x0] =	vst.idx.msk $0xffff, v55;
	v6 =	vld [tilespmem:s28+$0xFFFFFFC0]  }
0xa9: {  	v63 =	vadd.s32 v1, v19;
	[tilespmem:v3+s9+$0x0] =	vst.idx.msk $0xffff, v57;
	v3 =	vld [tilespmem:s28+$0xFFFFFFE0]  }
0xaa: {  	[tilespmem:v2+s9+$0x0] =	vst.idx.msk $0xffff, v58;
	s28 =	sshll.u32 s22, $0x13  }
0xab: {  	s14 =	sor.u32 s4, s28;
	[tilespmem:v60+s9+$0x0] =	vst.idx.msk $0xffff, v59  }
0xac: {  	s14 =	sshrl.u32 s14, $0x3;
	[tilespmem:v12+s9+$0x0] =	vst.idx.msk $0xffff, v61  }
0xad: {  	s23 =	simm.s32 $0xC600;
	s22 =	sadd.s32 s5, s14;
	[tilespmem:v62+s9+$0x0] =	vst.idx.msk $0xffff, v6  }
0xae: {  	s24 =	simm.s32 $0xC810;
	s14 =	simm.s32 $0x800;
	s25 =	sadd.s32 $0x0, s22;
	[tilespmem:v63+s9+$0x0] =	vst.idx.msk $0xffff, v3  }
.LBB2_13:
0xaf: {  	[hbm4b:s25+s3] =	stream.linear.scatter [tilespmem:s23], [sflag:$0x4], $0x200, $0x38;
	[tilespmem:$0x10800] =	vst v63  }
0xb0: {  	s25 =	smov.u32 s14;
	s23 =	smov.u32 s24;
	p0 =	sne.s32 s14, $0xF800  }
.Ltmp5:
0xb1: {  	s14 =	sadd.s32 $0x800, s14;
	(pc) =	sbr.rel @p0 .LBB2_13-.Ltmp5, $2  }
0xb2: {  	_ =	sdelay $0x2  }
0xb3: {  	s24 =	sadd.s32 $0x210, s24;
	s25 =	sadd.s32 s25, s22  }
0xb4: {  	s21 =	sadd.s32 $0x1, s21  }
0xb5: {  	p0 =	sne.s32 s21, $0x64  }
.Ltmp6:
0xb6: {  	_ = 	snop;
	(pc) =	sbr.rel @p0 .LBB2_6-.Ltmp6, $2  }
0xb7: {  	_ =	sdelay $0x2  }
0xb8: {  	[hbm4b:s25+s3] =	stream.linear.scatter [tilespmem:s23], [sflag:$0x4], $0x200, $0x38;
	[tilespmem:$0x10800] =	vst v63  }
0xb9: {  	_ =	swait.ge [sflag:s29], $0x4000  }
0xba: {  	[sflag:s29] =	ssyncset.done $0x0  }
0xbb: {  	[sflag:s29] =	ssyncadd.s32 $0xFFFFC000  }
0xbc: {  	_ =	swait.ge [sflag:s30], $0x4000  }
0xbd: {  	[sflag:s30] =	ssyncset.done $0x0  }
0xbe: {  	[sflag:s30] =	ssyncadd.s32 $0xFFFFC000  }
0xbf: {  	_ =	swait.ge [sflag:s1], $0x4000  }
0xc0: {  	s14 =	rddreg [dreg:$0x5]  }
0xc1: {  	s11 =	rddreg [dreg:$0x4];
	s14 =	sadd.s32 $0x1, s14  }
0xc2: {  	p0 =	sne.s32 s14, s11  }
.Ltmp7:
0xc3: {  	_ = 	snop;
	(pc) =	sbr.rel @p0 .LBB2_1-.Ltmp7, $3  }
0xc4: {  	_ =	sdelay $0x1  }
0xc5: {  	[sflag:s1] =	ssyncset.done $0x0  }
0xc6: {  	[sflag:s1] =	ssyncadd.s32 $0xFFFFC000  }
0xc7: {  	_ =	sfence.sel $0x180000  }
0xc8: {  	[bflag:$0x0] =	sbarrier.arrive $0xFFFF  }
0xc9: {  	_ =	strace $0x9000004A  }
0xca: {  	s0 =	stileid.u32;
	[bflag:$0x2] =	sbarrier.arrive $0xFFFF  }
0xcb: {  	p0 =	sne.s32 s0, $0x0;
	s0 =	rddreg [dreg:$0x2]  }
0xcc: {  	s0 =	sadd.s32 @!p0 $0x100000, s0  }
0xcd: {  	[sflag:s0] =	ssyncadd.tile.s32 @!p0 $0x1;
	_ =	shalt  }
.Lfunc_end2:
_tile_overlayer_lowered:
.L_overlay_start_2:
0xce: {  	(tag) =	ssettag $0x2  }
0xcf: {  	s0 =	rddreg [dreg:$0x0];
	s2 =	stileid.u32  }
0xd0: {  	s1 =	rddreg [dreg:$0x1];
	p0 =	sne.s32 s2, $0x0  }
0xd1: {  	s3 =	rddreg [dreg:$0x2];
	[bflag:$0x3] =	sbarrier.arrive $0xFFFF;
	s2 =	simm.s32 @!p0 $0x1C05  }
0xd2: {  	[timem:s3], [sflag:s2] =	dma.local @!p0 [hbm:s0], s1  }
0xd3: {  	s0 =	simm.s32 @!p0 $0x5  }
0xd4: {  	_ =	swait.ge @!p0 [sflag:s0], s1  }
0xd5: {  	s1 =	ssub.s32 @!p0 $0x0, s1;
	[sflag:s0] =	ssyncset.done @!p0 $0x0  }
0xd6: {  	[sflag:s0] =	ssyncadd.s32 @!p0 s1  }
0xd7: {  	[bflag:$0x3] =	sbarrier.arrive $0xFFFF  }
0xd8: {  	_ =	shalt  }

</sc_bundles>
